<compile_context>
chip_gen: v7x
topology: tpu7x:2x2x1
jax: 0.10.2.dev20260603
libtpu: 0.0.44.dev20260713+nightly
codegen_flags: <defaults>
</compile_context>

<pallas_src>
import functools

import jax
import jax.numpy as jnp
from jax import lax
from jax.experimental import pallas as pl
from jax.experimental.pallas import tpu as pltpu
from jax.experimental.pallas import tpu_sc as plsc

D = 189
MC = 128
CH = 128
L = 16
NBUF = 3
VBLK = 16384



def _dots_body(a_ref, et_ref, o_ref):
    o_ref[...] = (a_ref[...] @ et_ref[...])[0]


@functools.lru_cache(maxsize=None)
def _build_dots_call(V, VP):
    grid = (VP + VBLK - 1) // VBLK
    return pl.pallas_call(
        _dots_body,
        grid=(grid,),
        in_specs=[
            pl.BlockSpec((1, D), lambda i: (0, 0)),
            pl.BlockSpec((D, VBLK), lambda i: (0, i)),
        ],
        out_specs=pl.BlockSpec((VBLK,), lambda i: (i,)),
        out_shape=jax.ShapeDtypeStruct((VP,), jnp.float32),
    )


def _folded_dots(E, a):
    V = E.shape[0]
    nsub = (V + MC - 1) // MC
    VP = nsub * MC
    tv = _build_dots_call(V, VP)(a[None, :].astype(jnp.float32), E.T)
    return tv.reshape(nsub, MC)



@functools.lru_cache(maxsize=None)
def _build_sc_call(B):
    info = plsc.get_sparse_core_info()
    NC, NS = info.num_cores, info.num_subcores
    NW = NC * NS
    BPW = B // NW
    NCHUNK = BPW // CH
    GRP = CH // L

    mesh = plsc.VectorSubcoreMesh(core_axis_name="c", subcore_axis_name="s")

    @functools.partial(
        pl.kernel,
        out_type=jax.ShapeDtypeStruct((B,), jnp.float32),
        mesh=mesh,
        compiler_params=pltpu.CompilerParams(
            needs_layout_passes=False, use_tc_tiling_on_sc=True),
        scratch_types=[
            pltpu.VMEM((NCHUNK, CH), jnp.int32),
            pltpu.VMEM((NCHUNK, CH), jnp.int32),
            pltpu.VMEM((NCHUNK, CH), jnp.int32),
            pltpu.VMEM((NCHUNK, CH), jnp.int32),
            pltpu.VMEM((L,), jnp.float32),
            pltpu.VMEM((CH, MC), jnp.float32),
            pltpu.VMEM((CH, MC), jnp.float32),
            pltpu.VMEM((CH, MC), jnp.float32),
            pltpu.VMEM((CH, MC), jnp.float32),
            pltpu.VMEM((CH, MC), jnp.float32),
            pltpu.VMEM((CH, MC), jnp.float32),
            pltpu.VMEM((BPW,), jnp.float32),
            pltpu.SemaphoreType.DMA,
            pltpu.SemaphoreType.DMA,
            pltpu.SemaphoreType.DMA,
        ],
    )
    def sc_kernel(t0, t1, su, si, lu, li, c_hbm, out_hbm,
                  su_v, si_v, lu_v, li_v, c_v,
                  ua0, ua1, ua2, ia0, ia1, ia2, acc_v, s0, s1, s2):
        wid = lax.axis_index("s") * NC + lax.axis_index("c")
        base = wid * BPW
        crow = wid * NCHUNK

        pltpu.sync_copy(su.at[pl.ds(crow, NCHUNK)], su_v)
        pltpu.sync_copy(si.at[pl.ds(crow, NCHUNK)], si_v)
        pltpu.sync_copy(lu.at[pl.ds(crow, NCHUNK)], lu_v)
        pltpu.sync_copy(li.at[pl.ds(crow, NCHUNK)], li_v)
        pltpu.sync_copy(c_hbm, c_v)
        cvec = c_v[...]

        ubufs = (ua0, ua1, ua2)
        ibufs = (ia0, ia1, ia2)
        sems = (s0, s1, s2)
        lane = lax.iota(jnp.int32, L)
        rvecs = [jnp.int32(g * L) + lane for g in range(GRP)]

        def fire(c, ubuf, ibuf, sem):
            return [
                pltpu.async_copy(t0.at[su_v.at[c]], ubuf, sem),
                pltpu.async_copy(t1.at[si_v.at[c]], ibuf, sem),
            ]

        copies = [None] * NCHUNK
        for c in range(min(NBUF, NCHUNK)):
            copies[c] = fire(c, ubufs[c % NBUF], ibufs[c % NBUF],
                             sems[c % NBUF])

        for c in range(NCHUNK):
            for cp in copies[c]:
                cp.wait()
            ubuf, ibuf = ubufs[c % NBUF], ibufs[c % NBUF]
            for g in range(GRP):
                tlu = lu_v[c, pl.ds(g * L, L)]
                tli = li_v[c, pl.ds(g * L, L)]
                tu = plsc.load_gather(ubuf, [rvecs[g], tlu])
                ti = plsc.load_gather(ibuf, [rvecs[g], tli])
                x = tu + ti + cvec
                acc_v[pl.ds(c * CH + g * L, L)] = 1.0 / (1.0 + jnp.exp(-x))
            if c + NBUF < NCHUNK:
                copies[c + NBUF] = fire(c + NBUF, ubuf, ibuf, sems[c % NBUF])

        pltpu.sync_copy(acc_v, out_hbm.at[pl.ds(base, BPW)])

    return sc_kernel


def kernel(sparse_feature, E0, E1, Wu1, bu1, Wu2, bu2, Wi1, bi1, Wi2, bi2,
           W3, b3):
    B = sparse_feature.shape[0]
    user_idx = sparse_feature[:, 0].astype(jnp.int32)
    item_idx = sparse_feature[:, 1].astype(jnp.int32)

    a0 = (Wu1 @ Wu2 @ W3[:10]).reshape(-1)
    a1 = (Wi1 @ Wi2 @ W3[10:]).reshape(-1)
    c = ((bu1 @ Wu2 + bu2) @ W3[:10, 0]
         + (bi1 @ Wi2 + bi2) @ W3[10:, 0] + b3[0])
    cv = jnp.full((L,), c, jnp.float32)

    t0 = _folded_dots(E0, a0)
    t1 = _folded_dots(E1, a1)

    iu = user_idx.reshape(-1, CH)
    ii = item_idx.reshape(-1, CH)
    su = iu >> 7
    si = ii >> 7
    lu = iu & (MC - 1)
    li = ii & (MC - 1)

    sc_call = _build_sc_call(B)
    return sc_call(t0, t1, su, si, lu, li, cv)

# --- scband reference (transcript-rebuilt; emitter-appended) ---
"""Pipeline reference for scband-neural-cflate-cross-77558519431941 (READ-ONLY COPY).

The authoritative reference and input builder live on the scoring server;
editing this copy changes nothing except your own understanding.
"""

import jax, jax.numpy as jnp
import numpy as np

B = 16384
V0 = 1000000
V1 = 1000000
D0 = int(6 * (V0 ** 0.25))  # 189
D1 = int(6 * (V1 ** 0.25))  # 189


def setup_inputs(seed: int = 0) -> dict:
    key = jax.random.key(seed)
    ks = jax.random.split(key, 14)
    inp = {
        "sparse_feature": jax.random.randint(ks[0], (B, 2), 0, V0),
        "E0": jax.random.normal(ks[1], (V0, D0), dtype=jnp.float32) * 0.05,
        "E1": jax.random.normal(ks[2], (V1, D1), dtype=jnp.float32) * 0.05,
        "Wu1": jax.random.normal(ks[3], (D0, 10), dtype=jnp.float32) * (1.0 / np.sqrt(D0)),
        "bu1": jnp.zeros((10,), jnp.float32),
        "Wu2": jax.random.normal(ks[4], (10, 10), dtype=jnp.float32) * (1.0 / np.sqrt(10)),
        "bu2": jnp.zeros((10,), jnp.float32),
        "Wi1": jax.random.normal(ks[5], (D1, 10), dtype=jnp.float32) * (1.0 / np.sqrt(D1)),
        "bi1": jnp.zeros((10,), jnp.float32),
        "Wi2": jax.random.normal(ks[6], (10, 10), dtype=jnp.float32) * (1.0 / np.sqrt(10)),
        "bi2": jnp.zeros((10,), jnp.float32),
        "W3": jax.random.normal(ks[7], (20, 1), dtype=jnp.float32) * (1.0 / np.sqrt(20)),
        "b3": jnp.zeros((1,), jnp.float32),
    }
    return inp


def reference(sparse_feature, E0, E1, Wu1, bu1, Wu2, bu2, Wi1, bi1, Wi2, bi2, W3, b3):
    user_idx = sparse_feature[:, 0]
    item_idx = sparse_feature[:, 1]
    user_embedding = jnp.take(E0, user_idx, axis=0)
    user_output = user_embedding @ Wu1 + bu1
    user_output = user_output @ Wu2 + bu2
    item_embedding = jnp.take(E1, item_idx, axis=0)
    item_output = item_embedding @ Wi1 + bi1
    item_output = item_output @ Wi2 + bi2
    concat_output = jnp.concatenate([user_output, item_output], axis=1)
    output = jax.nn.sigmoid(concat_output @ W3 + b3)
    return output.reshape(-1)

if __name__ == "__main__":
    import jax
    _d = setup_inputs()
    print(jax.jit(kernel)(*tuple(_d.values())))

</pallas_src>

<mosaic_0001>
#map = affine_map<(d0, d1) -> (0, 0)>
#map1 = affine_map<(d0, d1) -> (0)>
module attributes {stable_mosaic.version = 14 : i64} {
  func.func @sc_kernel(%arg0: i32, %arg1: i32, %arg2: memref<7813x128xf32, #tpu.memory_space<hbm>>, %arg3: memref<7813x128xf32, #tpu.memory_space<hbm>>, %arg4: memref<128x128xi32, #tpu.memory_space<hbm>>, %arg5: memref<128x128xi32, #tpu.memory_space<hbm>>, %arg6: memref<128x128xi32, #tpu.memory_space<hbm>>, %arg7: memref<128x128xi32, #tpu.memory_space<hbm>>, %arg8: memref<16xf32, #tpu.memory_space<hbm>>, %arg9: memref<16384xf32, #tpu.memory_space<hbm>>, %arg10: memref<4x128xi32, #tpu.memory_space<vmem>>, %arg11: memref<4x128xi32, #tpu.memory_space<vmem>>, %arg12: memref<4x128xi32, #tpu.memory_space<vmem>>, %arg13: memref<4x128xi32, #tpu.memory_space<vmem>>, %arg14: memref<16xf32, #tpu.memory_space<vmem>>, %arg15: memref<128x128xf32, #tpu.memory_space<vmem>>, %arg16: memref<128x128xf32, #tpu.memory_space<vmem>>, %arg17: memref<128x128xf32, #tpu.memory_space<vmem>>, %arg18: memref<128x128xf32, #tpu.memory_space<vmem>>, %arg19: memref<128x128xf32, #tpu.memory_space<vmem>>, %arg20: memref<128x128xf32, #tpu.memory_space<vmem>>, %arg21: memref<512xf32, #tpu.memory_space<vmem>>, %arg22: memref<!tpu.dma_semaphore, #tpu.memory_space<semaphore_mem>>, %arg23: memref<!tpu.dma_semaphore, #tpu.memory_space<semaphore_mem>>, %arg24: memref<!tpu.dma_semaphore, #tpu.memory_space<semaphore_mem>>) attributes {dimension_semantics = [#tpu.dimension_semantics<core_parallel>, #tpu.dimension_semantics<subcore_parallel>], iteration_bounds = array<i64: 2, 16>, scalar_prefetch = 0 : i64, scratch_operands = 15 : i64, tpu.core_type = #tpu.core_type<sc_vector_subcore>, window_params = [{transform_indices = #map}, {transform_indices = #map}, {transform_indices = #map}, {transform_indices = #map}, {transform_indices = #map}, {transform_indices = #map}, {transform_indices = #map1}, {transform_indices = #map1}]} {
    %mul3A = arith.constant 2 : i32
    %mul3A_0 = arith.muli %arg1, %mul3A : i32
    %add3A = arith.addi %mul3A_0, %arg0 : i32
    %mul3A_1 = arith.constant 512 : i32
    %mul3A_2 = arith.muli %add3A, %mul3A_1 : i32
    %mul3A_3 = arith.constant 4 : i32
    %mul3A_4 = arith.muli %add3A, %mul3A_3 : i32
    "tpu.region"() ({
      %run_scoped3A = tpu.sem_alloc : memref<!tpu.dma_semaphore, #tpu.memory_space<semaphore_mem>>
      %dma_start3A_903 = arith.constant 0 : i32
      %dma_start3A_904 = tpu.memref_slice %arg4[%mul3A_4, %dma_start3A_903] : memref<128x128xi32, #tpu.memory_space<hbm>> -> memref<4x128xi32, #tpu.memory_space<hbm>>
      %dma_start3A_905 = arith.constant 0 : i32
      %dma_start3A_906 = tpu.memref_slice %arg4[%mul3A_4, %dma_start3A_905] : memref<128x128xi32, #tpu.memory_space<hbm>> -> memref<4x128xi32, #tpu.memory_space<hbm>>
      tpu.enqueue_dma source(%dma_start3A_906 : memref<4x128xi32, #tpu.memory_space<hbm>>) target(%arg10 : memref<4x128xi32, #tpu.memory_space<vmem>>) target_semaphore(%run_scoped3A : memref<!tpu.dma_semaphore, #tpu.memory_space<semaphore_mem>>)
      %dma_wait3A_907 = arith.constant 0 : i32
      %dma_wait3A_908 = tpu.memref_slice %arg4[%mul3A_4, %dma_wait3A_907] : memref<128x128xi32, #tpu.memory_space<hbm>> -> memref<4x128xi32, #tpu.memory_space<hbm>>
      %dma_wait3A_909 = arith.constant 0 : i32
      %dma_wait3A_910 = tpu.memref_slice %arg4[%mul3A_4, %dma_wait3A_909] : memref<128x128xi32, #tpu.memory_space<hbm>> -> memref<4x128xi32, #tpu.memory_space<hbm>>
      tpu.wait_dma2 semaphore(%run_scoped3A : memref<!tpu.dma_semaphore, #tpu.memory_space<semaphore_mem>>) src(%dma_wait3A_910 : memref<4x128xi32, #tpu.memory_space<hbm>>) dst(%arg10 : memref<4x128xi32, #tpu.memory_space<vmem>>)
      tpu.yield
    }) : () -> ()
    "tpu.region"() ({
      %run_scoped3A = tpu.sem_alloc : memref<!tpu.dma_semaphore, #tpu.memory_space<semaphore_mem>>
      %dma_start3A_903 = arith.constant 0 : i32
      %dma_start3A_904 = tpu.memref_slice %arg5[%mul3A_4, %dma_start3A_903] : memref<128x128xi32, #tpu.memory_space<hbm>> -> memref<4x128xi32, #tpu.memory_space<hbm>>
      %dma_start3A_905 = arith.constant 0 : i32
      %dma_start3A_906 = tpu.memref_slice %arg5[%mul3A_4, %dma_start3A_905] : memref<128x128xi32, #tpu.memory_space<hbm>> -> memref<4x128xi32, #tpu.memory_space<hbm>>
      tpu.enqueue_dma source(%dma_start3A_906 : memref<4x128xi32, #tpu.memory_space<hbm>>) target(%arg11 : memref<4x128xi32, #tpu.memory_space<vmem>>) target_semaphore(%run_scoped3A : memref<!tpu.dma_semaphore, #tpu.memory_space<semaphore_mem>>)
      %dma_wait3A_907 = arith.constant 0 : i32
      %dma_wait3A_908 = tpu.memref_slice %arg5[%mul3A_4, %dma_wait3A_907] : memref<128x128xi32, #tpu.memory_space<hbm>> -> memref<4x128xi32, #tpu.memory_space<hbm>>
      %dma_wait3A_909 = arith.constant 0 : i32
      %dma_wait3A_910 = tpu.memref_slice %arg5[%mul3A_4, %dma_wait3A_909] : memref<128x128xi32, #tpu.memory_space<hbm>> -> memref<4x128xi32, #tpu.memory_space<hbm>>
      tpu.wait_dma2 semaphore(%run_scoped3A : memref<!tpu.dma_semaphore, #tpu.memory_space<semaphore_mem>>) src(%dma_wait3A_910 : memref<4x128xi32, #tpu.memory_space<hbm>>) dst(%arg11 : memref<4x128xi32, #tpu.memory_space<vmem>>)
      tpu.yield
    }) : () -> ()
    "tpu.region"() ({
      %run_scoped3A = tpu.sem_alloc : memref<!tpu.dma_semaphore, #tpu.memory_space<semaphore_mem>>
      %dma_start3A_903 = arith.constant 0 : i32
      %dma_start3A_904 = tpu.memref_slice %arg6[%mul3A_4, %dma_start3A_903] : memref<128x128xi32, #tpu.memory_space<hbm>> -> memref<4x128xi32, #tpu.memory_space<hbm>>
      %dma_start3A_905 = arith.constant 0 : i32
      %dma_start3A_906 = tpu.memref_slice %arg6[%mul3A_4, %dma_start3A_905] : memref<128x128xi32, #tpu.memory_space<hbm>> -> memref<4x128xi32, #tpu.memory_space<hbm>>
      tpu.enqueue_dma source(%dma_start3A_906 : memref<4x128xi32, #tpu.memory_space<hbm>>) target(%arg12 : memref<4x128xi32, #tpu.memory_space<vmem>>) target_semaphore(%run_scoped3A : memref<!tpu.dma_semaphore, #tpu.memory_space<semaphore_mem>>)
      %dma_wait3A_907 = arith.constant 0 : i32
      %dma_wait3A_908 = tpu.memref_slice %arg6[%mul3A_4, %dma_wait3A_907] : memref<128x128xi32, #tpu.memory_space<hbm>> -> memref<4x128xi32, #tpu.memory_space<hbm>>
      %dma_wait3A_909 = arith.constant 0 : i32
      %dma_wait3A_910 = tpu.memref_slice %arg6[%mul3A_4, %dma_wait3A_909] : memref<128x128xi32, #tpu.memory_space<hbm>> -> memref<4x128xi32, #tpu.memory_space<hbm>>
      tpu.wait_dma2 semaphore(%run_scoped3A : memref<!tpu.dma_semaphore, #tpu.memory_space<semaphore_mem>>) src(%dma_wait3A_910 : memref<4x128xi32, #tpu.memory_space<hbm>>) dst(%arg12 : memref<4x128xi32, #tpu.memory_space<vmem>>)
      tpu.yield
    }) : () -> ()
    "tpu.region"() ({
      %run_scoped3A = tpu.sem_alloc : memref<!tpu.dma_semaphore, #tpu.memory_space<semaphore_mem>>
      %dma_start3A_903 = arith.constant 0 : i32
      %dma_start3A_904 = tpu.memref_slice %arg7[%mul3A_4, %dma_start3A_903] : memref<128x128xi32, #tpu.memory_space<hbm>> -> memref<4x128xi32, #tpu.memory_space<hbm>>
      %dma_start3A_905 = arith.constant 0 : i32
      %dma_start3A_906 = tpu.memref_slice %arg7[%mul3A_4, %dma_start3A_905] : memref<128x128xi32, #tpu.memory_space<hbm>> -> memref<4x128xi32, #tpu.memory_space<hbm>>
      tpu.enqueue_dma source(%dma_start3A_906 : memref<4x128xi32, #tpu.memory_space<hbm>>) target(%arg13 : memref<4x128xi32, #tpu.memory_space<vmem>>) target_semaphore(%run_scoped3A : memref<!tpu.dma_semaphore, #tpu.memory_space<semaphore_mem>>)
      %dma_wait3A_907 = arith.constant 0 : i32
      %dma_wait3A_908 = tpu.memref_slice %arg7[%mul3A_4, %dma_wait3A_907] : memref<128x128xi32, #tpu.memory_space<hbm>> -> memref<4x128xi32, #tpu.memory_space<hbm>>
      %dma_wait3A_909 = arith.constant 0 : i32
      %dma_wait3A_910 = tpu.memref_slice %arg7[%mul3A_4, %dma_wait3A_909] : memref<128x128xi32, #tpu.memory_space<hbm>> -> memref<4x128xi32, #tpu.memory_space<hbm>>
      tpu.wait_dma2 semaphore(%run_scoped3A : memref<!tpu.dma_semaphore, #tpu.memory_space<semaphore_mem>>) src(%dma_wait3A_910 : memref<4x128xi32, #tpu.memory_space<hbm>>) dst(%arg13 : memref<4x128xi32, #tpu.memory_space<vmem>>)
      tpu.yield
    }) : () -> ()
    "tpu.region"() ({
      %run_scoped3A = tpu.sem_alloc : memref<!tpu.dma_semaphore, #tpu.memory_space<semaphore_mem>>
      tpu.enqueue_dma source(%arg8 : memref<16xf32, #tpu.memory_space<hbm>>) target(%arg14 : memref<16xf32, #tpu.memory_space<vmem>>) target_semaphore(%run_scoped3A : memref<!tpu.dma_semaphore, #tpu.memory_space<semaphore_mem>>)
      tpu.wait_dma2 semaphore(%run_scoped3A : memref<!tpu.dma_semaphore, #tpu.memory_space<semaphore_mem>>) src(%arg8 : memref<16xf32, #tpu.memory_space<hbm>>) dst(%arg14 : memref<16xf32, #tpu.memory_space<vmem>>)
      tpu.yield
    }) : () -> ()
    %get3A = arith.constant 0 : index
    %get3A_5 = tpu.vector_load %arg14[%get3A] {strides = array<i32>} : memref<16xf32, #tpu.memory_space<vmem>>, vector<16xf32>,
    %iota3A = tpu.iota {dimensions = array<i32: 0>} : vector<16xi32>
    %add3A_6 = arith.constant 0 : i32
    %add3A_7 = vector.broadcast %add3A_6 : i32 to vector<16xi32>
    %add3A_8 = arith.addi %add3A_7, %iota3A : vector<16xi32>
    %add3A_9 = arith.constant 16 : i32
    %add3A_10 = vector.broadcast %add3A_9 : i32 to vector<16xi32>
    %add3A_11 = arith.addi %add3A_10, %iota3A : vector<16xi32>
    %add3A_12 = arith.constant 32 : i32
    %add3A_13 = vector.broadcast %add3A_12 : i32 to vector<16xi32>
    %add3A_14 = arith.addi %add3A_13, %iota3A : vector<16xi32>
    %add3A_15 = arith.constant 48 : i32
    %add3A_16 = vector.broadcast %add3A_15 : i32 to vector<16xi32>
    %add3A_17 = arith.addi %add3A_16, %iota3A : vector<16xi32>
    %add3A_18 = arith.constant 64 : i32
    %add3A_19 = vector.broadcast %add3A_18 : i32 to vector<16xi32>
    %add3A_20 = arith.addi %add3A_19, %iota3A : vector<16xi32>
    %add3A_21 = arith.constant 80 : i32
    %add3A_22 = vector.broadcast %add3A_21 : i32 to vector<16xi32>
    %add3A_23 = arith.addi %add3A_22, %iota3A : vector<16xi32>
    %add3A_24 = arith.constant 96 : i32
    %add3A_25 = vector.broadcast %add3A_24 : i32 to vector<16xi32>
    %add3A_26 = arith.addi %add3A_25, %iota3A : vector<16xi32>
    %add3A_27 = arith.constant 112 : i32
    %add3A_28 = vector.broadcast %add3A_27 : i32 to vector<16xi32>
    %add3A_29 = arith.addi %add3A_28, %iota3A : vector<16xi32>
    %dma_start3A = arith.constant 0 : i32
    %dma_start3A_30 = arith.constant 0 : i32
    %dma_start3A_31 = tpu.memref_slice %arg10[%dma_start3A, %dma_start3A_30] : memref<4x128xi32, #tpu.memory_space<vmem>> -> memref<1x128xi32, #tpu.memory_space<vmem>>
    %dma_start3A_32 = tpu.memref_squeeze %dma_start3A_31 : memref<1x128xi32, #tpu.memory_space<vmem>> -> memref<128xi32, #tpu.memory_space<vmem>>
    %dma_start3A_33 = arith.constant 0 : i32
    %dma_start3A_34 = arith.constant 0 : i32
    %dma_start3A_35 = tpu.memref_slice %arg2[%dma_start3A_33, %dma_start3A_34] : memref<7813x128xf32, #tpu.memory_space<hbm>> -> memref<7813x128xf32, #tpu.memory_space<hbm>>
    tpu.enqueue_indirect_dma source(%dma_start3A_35 : memref<7813x128xf32, #tpu.memory_space<hbm>>) target(%arg15 : memref<128x128xf32, #tpu.memory_space<vmem>>) offsets(%dma_start3A_32 : memref<128xi32, #tpu.memory_space<vmem>>) semaphore(%arg22 : memref<!tpu.dma_semaphore, #tpu.memory_space<semaphore_mem>>)
    %dma_start3A_36 = arith.constant 0 : i32
    %dma_start3A_37 = arith.constant 0 : i32
    %dma_start3A_38 = tpu.memref_slice %arg11[%dma_start3A_36, %dma_start3A_37] : memref<4x128xi32, #tpu.memory_space<vmem>> -> memref<1x128xi32, #tpu.memory_space<vmem>>
    %dma_start3A_39 = tpu.memref_squeeze %dma_start3A_38 : memref<1x128xi32, #tpu.memory_space<vmem>> -> memref<128xi32, #tpu.memory_space<vmem>>
    %dma_start3A_40 = arith.constant 0 : i32
    %dma_start3A_41 = arith.constant 0 : i32
    %dma_start3A_42 = tpu.memref_slice %arg3[%dma_start3A_40, %dma_start3A_41] : memref<7813x128xf32, #tpu.memory_space<hbm>> -> memref<7813x128xf32, #tpu.memory_space<hbm>>
    tpu.enqueue_indirect_dma source(%dma_start3A_42 : memref<7813x128xf32, #tpu.memory_space<hbm>>) target(%arg18 : memref<128x128xf32, #tpu.memory_space<vmem>>) offsets(%dma_start3A_39 : memref<128xi32, #tpu.memory_space<vmem>>) semaphore(%arg22 : memref<!tpu.dma_semaphore, #tpu.memory_space<semaphore_mem>>)
    %dma_start3A_43 = arith.constant 1 : i32
    %dma_start3A_44 = arith.constant 0 : i32
    %dma_start3A_45 = tpu.memref_slice %arg10[%dma_start3A_43, %dma_start3A_44] : memref<4x128xi32, #tpu.memory_space<vmem>> -> memref<1x128xi32, #tpu.memory_space<vmem>>
    %dma_start3A_46 = tpu.memref_squeeze %dma_start3A_45 : memref<1x128xi32, #tpu.memory_space<vmem>> -> memref<128xi32, #tpu.memory_space<vmem>>
    %dma_start3A_47 = arith.constant 0 : i32
    %dma_start3A_48 = arith.constant 0 : i32
    %dma_start3A_49 = tpu.memref_slice %arg2[%dma_start3A_47, %dma_start3A_48] : memref<7813x128xf32, #tpu.memory_space<hbm>> -> memref<7813x128xf32, #tpu.memory_space<hbm>>
    tpu.enqueue_indirect_dma source(%dma_start3A_49 : memref<7813x128xf32, #tpu.memory_space<hbm>>) target(%arg16 : memref<128x128xf32, #tpu.memory_space<vmem>>) offsets(%dma_start3A_46 : memref<128xi32, #tpu.memory_space<vmem>>) semaphore(%arg23 : memref<!tpu.dma_semaphore, #tpu.memory_space<semaphore_mem>>)
    %dma_start3A_50 = arith.constant 1 : i32
    %dma_start3A_51 = arith.constant 0 : i32
    %dma_start3A_52 = tpu.memref_slice %arg11[%dma_start3A_50, %dma_start3A_51] : memref<4x128xi32, #tpu.memory_space<vmem>> -> memref<1x128xi32, #tpu.memory_space<vmem>>
    %dma_start3A_53 = tpu.memref_squeeze %dma_start3A_52 : memref<1x128xi32, #tpu.memory_space<vmem>> -> memref<128xi32, #tpu.memory_space<vmem>>
    %dma_start3A_54 = arith.constant 0 : i32
    %dma_start3A_55 = arith.constant 0 : i32
    %dma_start3A_56 = tpu.memref_slice %arg3[%dma_start3A_54, %dma_start3A_55] : memref<7813x128xf32, #tpu.memory_space<hbm>> -> memref<7813x128xf32, #tpu.memory_space<hbm>>
    tpu.enqueue_indirect_dma source(%dma_start3A_56 : memref<7813x128xf32, #tpu.memory_space<hbm>>) target(%arg19 : memref<128x128xf32, #tpu.memory_space<vmem>>) offsets(%dma_start3A_53 : memref<128xi32, #tpu.memory_space<vmem>>) semaphore(%arg23 : memref<!tpu.dma_semaphore, #tpu.memory_space<semaphore_mem>>)
    %dma_start3A_57 = arith.constant 2 : i32
    %dma_start3A_58 = arith.constant 0 : i32
    %dma_start3A_59 = tpu.memref_slice %arg10[%dma_start3A_57, %dma_start3A_58] : memref<4x128xi32, #tpu.memory_space<vmem>> -> memref<1x128xi32, #tpu.memory_space<vmem>>
    %dma_start3A_60 = tpu.memref_squeeze %dma_start3A_59 : memref<1x128xi32, #tpu.memory_space<vmem>> -> memref<128xi32, #tpu.memory_space<vmem>>
    %dma_start3A_61 = arith.constant 0 : i32
    %dma_start3A_62 = arith.constant 0 : i32
    %dma_start3A_63 = tpu.memref_slice %arg2[%dma_start3A_61, %dma_start3A_62] : memref<7813x128xf32, #tpu.memory_space<hbm>> -> memref<7813x128xf32, #tpu.memory_space<hbm>>
    tpu.enqueue_indirect_dma source(%dma_start3A_63 : memref<7813x128xf32, #tpu.memory_space<hbm>>) target(%arg17 : memref<128x128xf32, #tpu.memory_space<vmem>>) offsets(%dma_start3A_60 : memref<128xi32, #tpu.memory_space<vmem>>) semaphore(%arg24 : memref<!tpu.dma_semaphore, #tpu.memory_space<semaphore_mem>>)
    %dma_start3A_64 = arith.constant 2 : i32
    %dma_start3A_65 = arith.constant 0 : i32
    %dma_start3A_66 = tpu.memref_slice %arg11[%dma_start3A_64, %dma_start3A_65] : memref<4x128xi32, #tpu.memory_space<vmem>> -> memref<1x128xi32, #tpu.memory_space<vmem>>
    %dma_start3A_67 = tpu.memref_squeeze %dma_start3A_66 : memref<1x128xi32, #tpu.memory_space<vmem>> -> memref<128xi32, #tpu.memory_space<vmem>>
    %dma_start3A_68 = arith.constant 0 : i32
    %dma_start3A_69 = arith.constant 0 : i32
    %dma_start3A_70 = tpu.memref_slice %arg3[%dma_start3A_68, %dma_start3A_69] : memref<7813x128xf32, #tpu.memory_space<hbm>> -> memref<7813x128xf32, #tpu.memory_space<hbm>>
    tpu.enqueue_indirect_dma source(%dma_start3A_70 : memref<7813x128xf32, #tpu.memory_space<hbm>>) target(%arg20 : memref<128x128xf32, #tpu.memory_space<vmem>>) offsets(%dma_start3A_67 : memref<128xi32, #tpu.memory_space<vmem>>) semaphore(%arg24 : memref<!tpu.dma_semaphore, #tpu.memory_space<semaphore_mem>>)
    %dma_wait3A = arith.constant 0 : i32
    %dma_wait3A_71 = arith.constant 0 : i32
    %dma_wait3A_72 = tpu.memref_slice %arg10[%dma_wait3A, %dma_wait3A_71] : memref<4x128xi32, #tpu.memory_space<vmem>> -> memref<1x128xi32, #tpu.memory_space<vmem>>
    %dma_wait3A_73 = tpu.memref_squeeze %dma_wait3A_72 : memref<1x128xi32, #tpu.memory_space<vmem>> -> memref<128xi32, #tpu.memory_space<vmem>>
    %dma_wait3A_74 = arith.constant 0 : i32
    %dma_wait3A_75 = arith.constant 0 : i32
    %dma_wait3A_76 = tpu.memref_slice %arg2[%dma_wait3A_74, %dma_wait3A_75] : memref<7813x128xf32, #tpu.memory_space<hbm>> -> memref<7813x128xf32, #tpu.memory_space<hbm>>
    tpu.wait_indirect_dma semaphore(%arg22 : memref<!tpu.dma_semaphore, #tpu.memory_space<semaphore_mem>>) src(%dma_wait3A_76 : memref<7813x128xf32, #tpu.memory_space<hbm>>) dst(%arg15 : memref<128x128xf32, #tpu.memory_space<vmem>>)
    %dma_wait3A_77 = arith.constant 0 : i32
    %dma_wait3A_78 = arith.constant 0 : i32
    %dma_wait3A_79 = tpu.memref_slice %arg11[%dma_wait3A_77, %dma_wait3A_78] : memref<4x128xi32, #tpu.memory_space<vmem>> -> memref<1x128xi32, #tpu.memory_space<vmem>>
    %dma_wait3A_80 = tpu.memref_squeeze %dma_wait3A_79 : memref<1x128xi32, #tpu.memory_space<vmem>> -> memref<128xi32, #tpu.memory_space<vmem>>
    %dma_wait3A_81 = arith.constant 0 : i32
    %dma_wait3A_82 = arith.constant 0 : i32
    %dma_wait3A_83 = tpu.memref_slice %arg3[%dma_wait3A_81, %dma_wait3A_82] : memref<7813x128xf32, #tpu.memory_space<hbm>> -> memref<7813x128xf32, #tpu.memory_space<hbm>>
    tpu.wait_indirect_dma semaphore(%arg22 : memref<!tpu.dma_semaphore, #tpu.memory_space<semaphore_mem>>) src(%dma_wait3A_83 : memref<7813x128xf32, #tpu.memory_space<hbm>>) dst(%arg18 : memref<128x128xf32, #tpu.memory_space<vmem>>)
    %get3A_84 = arith.constant 0 : i32
    %get3A_85 = arith.index_cast %get3A_84 : i32 to index
    %get3A_86 = arith.constant 0 : index
    %get3A_87 = tpu.vector_load %arg12[%get3A_85, %get3A_86] {strides = array<i32>} : memref<4x128xi32, #tpu.memory_space<vmem>>, vector<16xi32>,
    %get3A_88 = arith.constant 0 : i32
    %get3A_89 = arith.index_cast %get3A_88 : i32 to index
    %get3A_90 = arith.constant 0 : index
    %get3A_91 = tpu.vector_load %arg13[%get3A_89, %get3A_90] {strides = array<i32>} : memref<4x128xi32, #tpu.memory_space<vmem>>, vector<16xi32>,
    %gather3A = tpu.vector_load_idx %arg15[%add3A_8, %get3A_87] : memref<128x128xf32, #tpu.memory_space<vmem>>[vector<16xi32>, vector<16xi32>], vector<16xf32>,
    %gather3A_92 = tpu.vector_load_idx %arg18[%add3A_8, %get3A_91] : memref<128x128xf32, #tpu.memory_space<vmem>>[vector<16xi32>, vector<16xi32>], vector<16xf32>,
    %add3A_93 = arith.addf %gather3A, %gather3A_92 : vector<16xf32>
    %add3A_94 = arith.addf %add3A_93, %get3A_5 : vector<16xf32>
    %neg3A = arith.constant 0.000000e+00 : f32
    %neg3A_95 = vector.broadcast %neg3A : f32 to vector<16xf32>
    %neg3A_96 = arith.subf %neg3A_95, %add3A_94 : vector<16xf32>
    %exp3A = math.exp %neg3A_96 : vector<16xf32>
    %add3A_97 = arith.constant 1.000000e+00 : f32
    %add3A_98 = vector.broadcast %add3A_97 : f32 to vector<16xf32>
    %add3A_99 = arith.addf %add3A_98, %exp3A : vector<16xf32>
    %div3A = arith.constant 1.000000e+00 : f32
    %div3A_100 = vector.broadcast %div3A : f32 to vector<16xf32>
    %div3A_101 = arith.divf %div3A_100, %add3A_99 : vector<16xf32>
    %swap3A = arith.constant 0 : index
    %swap3A_102 = tpu.vector_load %arg21[%swap3A] {strides = array<i32>} : memref<512xf32, #tpu.memory_space<vmem>>, vector<16xf32>,
    tpu.vector_store %arg21[%swap3A], %div3A_101 {strides = array<i32>} : memref<512xf32, #tpu.memory_space<vmem>>, vector<16xf32>,
    %get3A_103 = arith.constant 0 : i32
    %get3A_104 = arith.index_cast %get3A_103 : i32 to index
    %get3A_105 = arith.constant 16 : index
    %get3A_106 = tpu.vector_load %arg12[%get3A_104, %get3A_105] {strides = array<i32>} : memref<4x128xi32, #tpu.memory_space<vmem>>, vector<16xi32>,
    %get3A_107 = arith.constant 0 : i32
    %get3A_108 = arith.index_cast %get3A_107 : i32 to index
    %get3A_109 = arith.constant 16 : index
    %get3A_110 = tpu.vector_load %arg13[%get3A_108, %get3A_109] {strides = array<i32>} : memref<4x128xi32, #tpu.memory_space<vmem>>, vector<16xi32>,
    %gather3A_111 = tpu.vector_load_idx %arg15[%add3A_11, %get3A_106] : memref<128x128xf32, #tpu.memory_space<vmem>>[vector<16xi32>, vector<16xi32>], vector<16xf32>,
    %gather3A_112 = tpu.vector_load_idx %arg18[%add3A_11, %get3A_110] : memref<128x128xf32, #tpu.memory_space<vmem>>[vector<16xi32>, vector<16xi32>], vector<16xf32>,
    %add3A_113 = arith.addf %gather3A_111, %gather3A_112 : vector<16xf32>
    %add3A_114 = arith.addf %add3A_113, %get3A_5 : vector<16xf32>
    %neg3A_115 = arith.constant 0.000000e+00 : f32
    %neg3A_116 = vector.broadcast %neg3A_115 : f32 to vector<16xf32>
    %neg3A_117 = arith.subf %neg3A_116, %add3A_114 : vector<16xf32>
    %exp3A_118 = math.exp %neg3A_117 : vector<16xf32>
    %add3A_119 = arith.constant 1.000000e+00 : f32
    %add3A_120 = vector.broadcast %add3A_119 : f32 to vector<16xf32>
    %add3A_121 = arith.addf %add3A_120, %exp3A_118 : vector<16xf32>
    %div3A_122 = arith.constant 1.000000e+00 : f32
    %div3A_123 = vector.broadcast %div3A_122 : f32 to vector<16xf32>
    %div3A_124 = arith.divf %div3A_123, %add3A_121 : vector<16xf32>
    %swap3A_125 = arith.constant 16 : index
    %swap3A_126 = tpu.vector_load %arg21[%swap3A_125] {strides = array<i32>} : memref<512xf32, #tpu.memory_space<vmem>>, vector<16xf32>,
    tpu.vector_store %arg21[%swap3A_125], %div3A_124 {strides = array<i32>} : memref<512xf32, #tpu.memory_space<vmem>>, vector<16xf32>,
    %get3A_127 = arith.constant 0 : i32
    %get3A_128 = arith.index_cast %get3A_127 : i32 to index
    %get3A_129 = arith.constant 32 : index
    %get3A_130 = tpu.vector_load %arg12[%get3A_128, %get3A_129] {strides = array<i32>} : memref<4x128xi32, #tpu.memory_space<vmem>>, vector<16xi32>,
    %get3A_131 = arith.constant 0 : i32
    %get3A_132 = arith.index_cast %get3A_131 : i32 to index
    %get3A_133 = arith.constant 32 : index
    %get3A_134 = tpu.vector_load %arg13[%get3A_132, %get3A_133] {strides = array<i32>} : memref<4x128xi32, #tpu.memory_space<vmem>>, vector<16xi32>,
    %gather3A_135 = tpu.vector_load_idx %arg15[%add3A_14, %get3A_130] : memref<128x128xf32, #tpu.memory_space<vmem>>[vector<16xi32>, vector<16xi32>], vector<16xf32>,
    %gather3A_136 = tpu.vector_load_idx %arg18[%add3A_14, %get3A_134] : memref<128x128xf32, #tpu.memory_space<vmem>>[vector<16xi32>, vector<16xi32>], vector<16xf32>,
    %add3A_137 = arith.addf %gather3A_135, %gather3A_136 : vector<16xf32>
    %add3A_138 = arith.addf %add3A_137, %get3A_5 : vector<16xf32>
    %neg3A_139 = arith.constant 0.000000e+00 : f32
    %neg3A_140 = vector.broadcast %neg3A_139 : f32 to vector<16xf32>
    %neg3A_141 = arith.subf %neg3A_140, %add3A_138 : vector<16xf32>
    %exp3A_142 = math.exp %neg3A_141 : vector<16xf32>
    %add3A_143 = arith.constant 1.000000e+00 : f32
    %add3A_144 = vector.broadcast %add3A_143 : f32 to vector<16xf32>
    %add3A_145 = arith.addf %add3A_144, %exp3A_142 : vector<16xf32>
    %div3A_146 = arith.constant 1.000000e+00 : f32
    %div3A_147 = vector.broadcast %div3A_146 : f32 to vector<16xf32>
    %div3A_148 = arith.divf %div3A_147, %add3A_145 : vector<16xf32>
    %swap3A_149 = arith.constant 32 : index
    %swap3A_150 = tpu.vector_load %arg21[%swap3A_149] {strides = array<i32>} : memref<512xf32, #tpu.memory_space<vmem>>, vector<16xf32>,
    tpu.vector_store %arg21[%swap3A_149], %div3A_148 {strides = array<i32>} : memref<512xf32, #tpu.memory_space<vmem>>, vector<16xf32>,
    %get3A_151 = arith.constant 0 : i32
    %get3A_152 = arith.index_cast %get3A_151 : i32 to index
    %get3A_153 = arith.constant 48 : index
    %get3A_154 = tpu.vector_load %arg12[%get3A_152, %get3A_153] {strides = array<i32>} : memref<4x128xi32, #tpu.memory_space<vmem>>, vector<16xi32>,
    %get3A_155 = arith.constant 0 : i32
    %get3A_156 = arith.index_cast %get3A_155 : i32 to index
    %get3A_157 = arith.constant 48 : index
    %get3A_158 = tpu.vector_load %arg13[%get3A_156, %get3A_157] {strides = array<i32>} : memref<4x128xi32, #tpu.memory_space<vmem>>, vector<16xi32>,
    %gather3A_159 = tpu.vector_load_idx %arg15[%add3A_17, %get3A_154] : memref<128x128xf32, #tpu.memory_space<vmem>>[vector<16xi32>, vector<16xi32>], vector<16xf32>,
    %gather3A_160 = tpu.vector_load_idx %arg18[%add3A_17, %get3A_158] : memref<128x128xf32, #tpu.memory_space<vmem>>[vector<16xi32>, vector<16xi32>], vector<16xf32>,
    %add3A_161 = arith.addf %gather3A_159, %gather3A_160 : vector<16xf32>
    %add3A_162 = arith.addf %add3A_161, %get3A_5 : vector<16xf32>
    %neg3A_163 = arith.constant 0.000000e+00 : f32
    %neg3A_164 = vector.broadcast %neg3A_163 : f32 to vector<16xf32>
    %neg3A_165 = arith.subf %neg3A_164, %add3A_162 : vector<16xf32>
    %exp3A_166 = math.exp %neg3A_165 : vector<16xf32>
    %add3A_167 = arith.constant 1.000000e+00 : f32
    %add3A_168 = vector.broadcast %add3A_167 : f32 to vector<16xf32>
    %add3A_169 = arith.addf %add3A_168, %exp3A_166 : vector<16xf32>
    %div3A_170 = arith.constant 1.000000e+00 : f32
    %div3A_171 = vector.broadcast %div3A_170 : f32 to vector<16xf32>
    %div3A_172 = arith.divf %div3A_171, %add3A_169 : vector<16xf32>
    %swap3A_173 = arith.constant 48 : index
    %swap3A_174 = tpu.vector_load %arg21[%swap3A_173] {strides = array<i32>} : memref<512xf32, #tpu.memory_space<vmem>>, vector<16xf32>,
    tpu.vector_store %arg21[%swap3A_173], %div3A_172 {strides = array<i32>} : memref<512xf32, #tpu.memory_space<vmem>>, vector<16xf32>,
    %get3A_175 = arith.constant 0 : i32
    %get3A_176 = arith.index_cast %get3A_175 : i32 to index
    %get3A_177 = arith.constant 64 : index
    %get3A_178 = tpu.vector_load %arg12[%get3A_176, %get3A_177] {strides = array<i32>} : memref<4x128xi32, #tpu.memory_space<vmem>>, vector<16xi32>,
    %get3A_179 = arith.constant 0 : i32
    %get3A_180 = arith.index_cast %get3A_179 : i32 to index
    %get3A_181 = arith.constant 64 : index
    %get3A_182 = tpu.vector_load %arg13[%get3A_180, %get3A_181] {strides = array<i32>} : memref<4x128xi32, #tpu.memory_space<vmem>>, vector<16xi32>,
    %gather3A_183 = tpu.vector_load_idx %arg15[%add3A_20, %get3A_178] : memref<128x128xf32, #tpu.memory_space<vmem>>[vector<16xi32>, vector<16xi32>], vector<16xf32>,
    %gather3A_184 = tpu.vector_load_idx %arg18[%add3A_20, %get3A_182] : memref<128x128xf32, #tpu.memory_space<vmem>>[vector<16xi32>, vector<16xi32>], vector<16xf32>,
    %add3A_185 = arith.addf %gather3A_183, %gather3A_184 : vector<16xf32>
    %add3A_186 = arith.addf %add3A_185, %get3A_5 : vector<16xf32>
    %neg3A_187 = arith.constant 0.000000e+00 : f32
    %neg3A_188 = vector.broadcast %neg3A_187 : f32 to vector<16xf32>
    %neg3A_189 = arith.subf %neg3A_188, %add3A_186 : vector<16xf32>
    %exp3A_190 = math.exp %neg3A_189 : vector<16xf32>
    %add3A_191 = arith.constant 1.000000e+00 : f32
    %add3A_192 = vector.broadcast %add3A_191 : f32 to vector<16xf32>
    %add3A_193 = arith.addf %add3A_192, %exp3A_190 : vector<16xf32>
    %div3A_194 = arith.constant 1.000000e+00 : f32
    %div3A_195 = vector.broadcast %div3A_194 : f32 to vector<16xf32>
    %div3A_196 = arith.divf %div3A_195, %add3A_193 : vector<16xf32>
    %swap3A_197 = arith.constant 64 : index
    %swap3A_198 = tpu.vector_load %arg21[%swap3A_197] {strides = array<i32>} : memref<512xf32, #tpu.memory_space<vmem>>, vector<16xf32>,
    tpu.vector_store %arg21[%swap3A_197], %div3A_196 {strides = array<i32>} : memref<512xf32, #tpu.memory_space<vmem>>, vector<16xf32>,
    %get3A_199 = arith.constant 0 : i32
    %get3A_200 = arith.index_cast %get3A_199 : i32 to index
    %get3A_201 = arith.constant 80 : index
    %get3A_202 = tpu.vector_load %arg12[%get3A_200, %get3A_201] {strides = array<i32>} : memref<4x128xi32, #tpu.memory_space<vmem>>, vector<16xi32>,
    %get3A_203 = arith.constant 0 : i32
    %get3A_204 = arith.index_cast %get3A_203 : i32 to index
    %get3A_205 = arith.constant 80 : index
    %get3A_206 = tpu.vector_load %arg13[%get3A_204, %get3A_205] {strides = array<i32>} : memref<4x128xi32, #tpu.memory_space<vmem>>, vector<16xi32>,
    %gather3A_207 = tpu.vector_load_idx %arg15[%add3A_23, %get3A_202] : memref<128x128xf32, #tpu.memory_space<vmem>>[vector<16xi32>, vector<16xi32>], vector<16xf32>,
    %gather3A_208 = tpu.vector_load_idx %arg18[%add3A_23, %get3A_206] : memref<128x128xf32, #tpu.memory_space<vmem>>[vector<16xi32>, vector<16xi32>], vector<16xf32>,
    %add3A_209 = arith.addf %gather3A_207, %gather3A_208 : vector<16xf32>
    %add3A_210 = arith.addf %add3A_209, %get3A_5 : vector<16xf32>
    %neg3A_211 = arith.constant 0.000000e+00 : f32
    %neg3A_212 = vector.broadcast %neg3A_211 : f32 to vector<16xf32>
    %neg3A_213 = arith.subf %neg3A_212, %add3A_210 : vector<16xf32>
    %exp3A_214 = math.exp %neg3A_213 : vector<16xf32>
    %add3A_215 = arith.constant 1.000000e+00 : f32
    %add3A_216 = vector.broadcast %add3A_215 : f32 to vector<16xf32>
    %add3A_217 = arith.addf %add3A_216, %exp3A_214 : vector<16xf32>
    %div3A_218 = arith.constant 1.000000e+00 : f32
    %div3A_219 = vector.broadcast %div3A_218 : f32 to vector<16xf32>
    %div3A_220 = arith.divf %div3A_219, %add3A_217 : vector<16xf32>
    %swap3A_221 = arith.constant 80 : index
    %swap3A_222 = tpu.vector_load %arg21[%swap3A_221] {strides = array<i32>} : memref<512xf32, #tpu.memory_space<vmem>>, vector<16xf32>,
    tpu.vector_store %arg21[%swap3A_221], %div3A_220 {strides = array<i32>} : memref<512xf32, #tpu.memory_space<vmem>>, vector<16xf32>,
    %get3A_223 = arith.constant 0 : i32
    %get3A_224 = arith.index_cast %get3A_223 : i32 to index
    %get3A_225 = arith.constant 96 : index
    %get3A_226 = tpu.vector_load %arg12[%get3A_224, %get3A_225] {strides = array<i32>} : memref<4x128xi32, #tpu.memory_space<vmem>>, vector<16xi32>,
    %get3A_227 = arith.constant 0 : i32
    %get3A_228 = arith.index_cast %get3A_227 : i32 to index
    %get3A_229 = arith.constant 96 : index
    %get3A_230 = tpu.vector_load %arg13[%get3A_228, %get3A_229] {strides = array<i32>} : memref<4x128xi32, #tpu.memory_space<vmem>>, vector<16xi32>,
    %gather3A_231 = tpu.vector_load_idx %arg15[%add3A_26, %get3A_226] : memref<128x128xf32, #tpu.memory_space<vmem>>[vector<16xi32>, vector<16xi32>], vector<16xf32>,
    %gather3A_232 = tpu.vector_load_idx %arg18[%add3A_26, %get3A_230] : memref<128x128xf32, #tpu.memory_space<vmem>>[vector<16xi32>, vector<16xi32>], vector<16xf32>,
    %add3A_233 = arith.addf %gather3A_231, %gather3A_232 : vector<16xf32>
    %add3A_234 = arith.addf %add3A_233, %get3A_5 : vector<16xf32>
    %neg3A_235 = arith.constant 0.000000e+00 : f32
    %neg3A_236 = vector.broadcast %neg3A_235 : f32 to vector<16xf32>
    %neg3A_237 = arith.subf %neg3A_236, %add3A_234 : vector<16xf32>
    %exp3A_238 = math.exp %neg3A_237 : vector<16xf32>
    %add3A_239 = arith.constant 1.000000e+00 : f32
    %add3A_240 = vector.broadcast %add3A_239 : f32 to vector<16xf32>
    %add3A_241 = arith.addf %add3A_240, %exp3A_238 : vector<16xf32>
    %div3A_242 = arith.constant 1.000000e+00 : f32
    %div3A_243 = vector.broadcast %div3A_242 : f32 to vector<16xf32>
    %div3A_244 = arith.divf %div3A_243, %add3A_241 : vector<16xf32>
    %swap3A_245 = arith.constant 96 : index
    %swap3A_246 = tpu.vector_load %arg21[%swap3A_245] {strides = array<i32>} : memref<512xf32, #tpu.memory_space<vmem>>, vector<16xf32>,
    tpu.vector_store %arg21[%swap3A_245], %div3A_244 {strides = array<i32>} : memref<512xf32, #tpu.memory_space<vmem>>, vector<16xf32>,
    %get3A_247 = arith.constant 0 : i32
    %get3A_248 = arith.index_cast %get3A_247 : i32 to index
    %get3A_249 = arith.constant 112 : index
    %get3A_250 = tpu.vector_load %arg12[%get3A_248, %get3A_249] {strides = array<i32>} : memref<4x128xi32, #tpu.memory_space<vmem>>, vector<16xi32>,
    %get3A_251 = arith.constant 0 : i32
    %get3A_252 = arith.index_cast %get3A_251 : i32 to index
    %get3A_253 = arith.constant 112 : index
    %get3A_254 = tpu.vector_load %arg13[%get3A_252, %get3A_253] {strides = array<i32>} : memref<4x128xi32, #tpu.memory_space<vmem>>, vector<16xi32>,
    %gather3A_255 = tpu.vector_load_idx %arg15[%add3A_29, %get3A_250] : memref<128x128xf32, #tpu.memory_space<vmem>>[vector<16xi32>, vector<16xi32>], vector<16xf32>,
    %gather3A_256 = tpu.vector_load_idx %arg18[%add3A_29, %get3A_254] : memref<128x128xf32, #tpu.memory_space<vmem>>[vector<16xi32>, vector<16xi32>], vector<16xf32>,
    %add3A_257 = arith.addf %gather3A_255, %gather3A_256 : vector<16xf32>
    %add3A_258 = arith.addf %add3A_257, %get3A_5 : vector<16xf32>
    %neg3A_259 = arith.constant 0.000000e+00 : f32
    %neg3A_260 = vector.broadcast %neg3A_259 : f32 to vector<16xf32>
    %neg3A_261 = arith.subf %neg3A_260, %add3A_258 : vector<16xf32>
    %exp3A_262 = math.exp %neg3A_261 : vector<16xf32>
    %add3A_263 = arith.constant 1.000000e+00 : f32
    %add3A_264 = vector.broadcast %add3A_263 : f32 to vector<16xf32>
    %add3A_265 = arith.addf %add3A_264, %exp3A_262 : vector<16xf32>
    %div3A_266 = arith.constant 1.000000e+00 : f32
    %div3A_267 = vector.broadcast %div3A_266 : f32 to vector<16xf32>
    %div3A_268 = arith.divf %div3A_267, %add3A_265 : vector<16xf32>
    %swap3A_269 = arith.constant 112 : index
    %swap3A_270 = tpu.vector_load %arg21[%swap3A_269] {strides = array<i32>} : memref<512xf32, #tpu.memory_space<vmem>>, vector<16xf32>,
    tpu.vector_store %arg21[%swap3A_269], %div3A_268 {strides = array<i32>} : memref<512xf32, #tpu.memory_space<vmem>>, vector<16xf32>,
    %dma_start3A_271 = arith.constant 3 : i32
    %dma_start3A_272 = arith.constant 0 : i32
    %dma_start3A_273 = tpu.memref_slice %arg10[%dma_start3A_271, %dma_start3A_272] : memref<4x128xi32, #tpu.memory_space<vmem>> -> memref<1x128xi32, #tpu.memory_space<vmem>>
    %dma_start3A_274 = tpu.memref_squeeze %dma_start3A_273 : memref<1x128xi32, #tpu.memory_space<vmem>> -> memref<128xi32, #tpu.memory_space<vmem>>
    %dma_start3A_275 = arith.constant 0 : i32
    %dma_start3A_276 = arith.constant 0 : i32
    %dma_start3A_277 = tpu.memref_slice %arg2[%dma_start3A_275, %dma_start3A_276] : memref<7813x128xf32, #tpu.memory_space<hbm>> -> memref<7813x128xf32, #tpu.memory_space<hbm>>
    tpu.enqueue_indirect_dma source(%dma_start3A_277 : memref<7813x128xf32, #tpu.memory_space<hbm>>) target(%arg15 : memref<128x128xf32, #tpu.memory_space<vmem>>) offsets(%dma_start3A_274 : memref<128xi32, #tpu.memory_space<vmem>>) semaphore(%arg22 : memref<!tpu.dma_semaphore, #tpu.memory_space<semaphore_mem>>)
    %dma_start3A_278 = arith.constant 3 : i32
    %dma_start3A_279 = arith.constant 0 : i32
    %dma_start3A_280 = tpu.memref_slice %arg11[%dma_start3A_278, %dma_start3A_279] : memref<4x128xi32, #tpu.memory_space<vmem>> -> memref<1x128xi32, #tpu.memory_space<vmem>>
    %dma_start3A_281 = tpu.memref_squeeze %dma_start3A_280 : memref<1x128xi32, #tpu.memory_space<vmem>> -> memref<128xi32, #tpu.memory_space<vmem>>
    %dma_start3A_282 = arith.constant 0 : i32
    %dma_start3A_283 = arith.constant 0 : i32
    %dma_start3A_284 = tpu.memref_slice %arg3[%dma_start3A_282, %dma_start3A_283] : memref<7813x128xf32, #tpu.memory_space<hbm>> -> memref<7813x128xf32, #tpu.memory_space<hbm>>
    tpu.enqueue_indirect_dma source(%dma_start3A_284 : memref<7813x128xf32, #tpu.memory_space<hbm>>) target(%arg18 : memref<128x128xf32, #tpu.memory_space<vmem>>) offsets(%dma_start3A_281 : memref<128xi32, #tpu.memory_space<vmem>>) semaphore(%arg22 : memref<!tpu.dma_semaphore, #tpu.memory_space<semaphore_mem>>)
    %dma_wait3A_285 = arith.constant 1 : i32
    %dma_wait3A_286 = arith.constant 0 : i32
    %dma_wait3A_287 = tpu.memref_slice %arg10[%dma_wait3A_285, %dma_wait3A_286] : memref<4x128xi32, #tpu.memory_space<vmem>> -> memref<1x128xi32, #tpu.memory_space<vmem>>
    %dma_wait3A_288 = tpu.memref_squeeze %dma_wait3A_287 : memref<1x128xi32, #tpu.memory_space<vmem>> -> memref<128xi32, #tpu.memory_space<vmem>>
    %dma_wait3A_289 = arith.constant 0 : i32
    %dma_wait3A_290 = arith.constant 0 : i32
    %dma_wait3A_291 = tpu.memref_slice %arg2[%dma_wait3A_289, %dma_wait3A_290] : memref<7813x128xf32, #tpu.memory_space<hbm>> -> memref<7813x128xf32, #tpu.memory_space<hbm>>
    tpu.wait_indirect_dma semaphore(%arg23 : memref<!tpu.dma_semaphore, #tpu.memory_space<semaphore_mem>>) src(%dma_wait3A_291 : memref<7813x128xf32, #tpu.memory_space<hbm>>) dst(%arg16 : memref<128x128xf32, #tpu.memory_space<vmem>>)
    %dma_wait3A_292 = arith.constant 1 : i32
    %dma_wait3A_293 = arith.constant 0 : i32
    %dma_wait3A_294 = tpu.memref_slice %arg11[%dma_wait3A_292, %dma_wait3A_293] : memref<4x128xi32, #tpu.memory_space<vmem>> -> memref<1x128xi32, #tpu.memory_space<vmem>>
    %dma_wait3A_295 = tpu.memref_squeeze %dma_wait3A_294 : memref<1x128xi32, #tpu.memory_space<vmem>> -> memref<128xi32, #tpu.memory_space<vmem>>
    %dma_wait3A_296 = arith.constant 0 : i32
    %dma_wait3A_297 = arith.constant 0 : i32
    %dma_wait3A_298 = tpu.memref_slice %arg3[%dma_wait3A_296, %dma_wait3A_297] : memref<7813x128xf32, #tpu.memory_space<hbm>> -> memref<7813x128xf32, #tpu.memory_space<hbm>>
    tpu.wait_indirect_dma semaphore(%arg23 : memref<!tpu.dma_semaphore, #tpu.memory_space<semaphore_mem>>) src(%dma_wait3A_298 : memref<7813x128xf32, #tpu.memory_space<hbm>>) dst(%arg19 : memref<128x128xf32, #tpu.memory_space<vmem>>)
    %get3A_299 = arith.constant 1 : i32
    %get3A_300 = arith.index_cast %get3A_299 : i32 to index
    %get3A_301 = arith.constant 0 : index
    %get3A_302 = tpu.vector_load %arg12[%get3A_300, %get3A_301] {strides = array<i32>} : memref<4x128xi32, #tpu.memory_space<vmem>>, vector<16xi32>,
    %get3A_303 = arith.constant 1 : i32
    %get3A_304 = arith.index_cast %get3A_303 : i32 to index
    %get3A_305 = arith.constant 0 : index
    %get3A_306 = tpu.vector_load %arg13[%get3A_304, %get3A_305] {strides = array<i32>} : memref<4x128xi32, #tpu.memory_space<vmem>>, vector<16xi32>,
    %gather3A_307 = tpu.vector_load_idx %arg16[%add3A_8, %get3A_302] : memref<128x128xf32, #tpu.memory_space<vmem>>[vector<16xi32>, vector<16xi32>], vector<16xf32>,
    %gather3A_308 = tpu.vector_load_idx %arg19[%add3A_8, %get3A_306] : memref<128x128xf32, #tpu.memory_space<vmem>>[vector<16xi32>, vector<16xi32>], vector<16xf32>,
    %add3A_309 = arith.addf %gather3A_307, %gather3A_308 : vector<16xf32>
    %add3A_310 = arith.addf %add3A_309, %get3A_5 : vector<16xf32>
    %neg3A_311 = arith.constant 0.000000e+00 : f32
    %neg3A_312 = vector.broadcast %neg3A_311 : f32 to vector<16xf32>
    %neg3A_313 = arith.subf %neg3A_312, %add3A_310 : vector<16xf32>
    %exp3A_314 = math.exp %neg3A_313 : vector<16xf32>
    %add3A_315 = arith.constant 1.000000e+00 : f32
    %add3A_316 = vector.broadcast %add3A_315 : f32 to vector<16xf32>
    %add3A_317 = arith.addf %add3A_316, %exp3A_314 : vector<16xf32>
    %div3A_318 = arith.constant 1.000000e+00 : f32
    %div3A_319 = vector.broadcast %div3A_318 : f32 to vector<16xf32>
    %div3A_320 = arith.divf %div3A_319, %add3A_317 : vector<16xf32>
    %swap3A_321 = arith.constant 128 : index
    %swap3A_322 = tpu.vector_load %arg21[%swap3A_321] {strides = array<i32>} : memref<512xf32, #tpu.memory_space<vmem>>, vector<16xf32>,
    tpu.vector_store %arg21[%swap3A_321], %div3A_320 {strides = array<i32>} : memref<512xf32, #tpu.memory_space<vmem>>, vector<16xf32>,
    %get3A_323 = arith.constant 1 : i32
    %get3A_324 = arith.index_cast %get3A_323 : i32 to index
    %get3A_325 = arith.constant 16 : index
    %get3A_326 = tpu.vector_load %arg12[%get3A_324, %get3A_325] {strides = array<i32>} : memref<4x128xi32, #tpu.memory_space<vmem>>, vector<16xi32>,
    %get3A_327 = arith.constant 1 : i32
    %get3A_328 = arith.index_cast %get3A_327 : i32 to index
    %get3A_329 = arith.constant 16 : index
    %get3A_330 = tpu.vector_load %arg13[%get3A_328, %get3A_329] {strides = array<i32>} : memref<4x128xi32, #tpu.memory_space<vmem>>, vector<16xi32>,
    %gather3A_331 = tpu.vector_load_idx %arg16[%add3A_11, %get3A_326] : memref<128x128xf32, #tpu.memory_space<vmem>>[vector<16xi32>, vector<16xi32>], vector<16xf32>,
    %gather3A_332 = tpu.vector_load_idx %arg19[%add3A_11, %get3A_330] : memref<128x128xf32, #tpu.memory_space<vmem>>[vector<16xi32>, vector<16xi32>], vector<16xf32>,
    %add3A_333 = arith.addf %gather3A_331, %gather3A_332 : vector<16xf32>
    %add3A_334 = arith.addf %add3A_333, %get3A_5 : vector<16xf32>
    %neg3A_335 = arith.constant 0.000000e+00 : f32
    %neg3A_336 = vector.broadcast %neg3A_335 : f32 to vector<16xf32>
    %neg3A_337 = arith.subf %neg3A_336, %add3A_334 : vector<16xf32>
    %exp3A_338 = math.exp %neg3A_337 : vector<16xf32>
    %add3A_339 = arith.constant 1.000000e+00 : f32
    %add3A_340 = vector.broadcast %add3A_339 : f32 to vector<16xf32>
    %add3A_341 = arith.addf %add3A_340, %exp3A_338 : vector<16xf32>
    %div3A_342 = arith.constant 1.000000e+00 : f32
    %div3A_343 = vector.broadcast %div3A_342 : f32 to vector<16xf32>
    %div3A_344 = arith.divf %div3A_343, %add3A_341 : vector<16xf32>
    %swap3A_345 = arith.constant 144 : index
    %swap3A_346 = tpu.vector_load %arg21[%swap3A_345] {strides = array<i32>} : memref<512xf32, #tpu.memory_space<vmem>>, vector<16xf32>,
    tpu.vector_store %arg21[%swap3A_345], %div3A_344 {strides = array<i32>} : memref<512xf32, #tpu.memory_space<vmem>>, vector<16xf32>,
    %get3A_347 = arith.constant 1 : i32
    %get3A_348 = arith.index_cast %get3A_347 : i32 to index
    %get3A_349 = arith.constant 32 : index
    %get3A_350 = tpu.vector_load %arg12[%get3A_348, %get3A_349] {strides = array<i32>} : memref<4x128xi32, #tpu.memory_space<vmem>>, vector<16xi32>,
    %get3A_351 = arith.constant 1 : i32
    %get3A_352 = arith.index_cast %get3A_351 : i32 to index
    %get3A_353 = arith.constant 32 : index
    %get3A_354 = tpu.vector_load %arg13[%get3A_352, %get3A_353] {strides = array<i32>} : memref<4x128xi32, #tpu.memory_space<vmem>>, vector<16xi32>,
    %gather3A_355 = tpu.vector_load_idx %arg16[%add3A_14, %get3A_350] : memref<128x128xf32, #tpu.memory_space<vmem>>[vector<16xi32>, vector<16xi32>], vector<16xf32>,
    %gather3A_356 = tpu.vector_load_idx %arg19[%add3A_14, %get3A_354] : memref<128x128xf32, #tpu.memory_space<vmem>>[vector<16xi32>, vector<16xi32>], vector<16xf32>,
    %add3A_357 = arith.addf %gather3A_355, %gather3A_356 : vector<16xf32>
    %add3A_358 = arith.addf %add3A_357, %get3A_5 : vector<16xf32>
    %neg3A_359 = arith.constant 0.000000e+00 : f32
    %neg3A_360 = vector.broadcast %neg3A_359 : f32 to vector<16xf32>
    %neg3A_361 = arith.subf %neg3A_360, %add3A_358 : vector<16xf32>
    %exp3A_362 = math.exp %neg3A_361 : vector<16xf32>
    %add3A_363 = arith.constant 1.000000e+00 : f32
    %add3A_364 = vector.broadcast %add3A_363 : f32 to vector<16xf32>
    %add3A_365 = arith.addf %add3A_364, %exp3A_362 : vector<16xf32>
    %div3A_366 = arith.constant 1.000000e+00 : f32
    %div3A_367 = vector.broadcast %div3A_366 : f32 to vector<16xf32>
    %div3A_368 = arith.divf %div3A_367, %add3A_365 : vector<16xf32>
    %swap3A_369 = arith.constant 160 : index
    %swap3A_370 = tpu.vector_load %arg21[%swap3A_369] {strides = array<i32>} : memref<512xf32, #tpu.memory_space<vmem>>, vector<16xf32>,
    tpu.vector_store %arg21[%swap3A_369], %div3A_368 {strides = array<i32>} : memref<512xf32, #tpu.memory_space<vmem>>, vector<16xf32>,
    %get3A_371 = arith.constant 1 : i32
    %get3A_372 = arith.index_cast %get3A_371 : i32 to index
    %get3A_373 = arith.constant 48 : index
    %get3A_374 = tpu.vector_load %arg12[%get3A_372, %get3A_373] {strides = array<i32>} : memref<4x128xi32, #tpu.memory_space<vmem>>, vector<16xi32>,
    %get3A_375 = arith.constant 1 : i32
    %get3A_376 = arith.index_cast %get3A_375 : i32 to index
    %get3A_377 = arith.constant 48 : index
    %get3A_378 = tpu.vector_load %arg13[%get3A_376, %get3A_377] {strides = array<i32>} : memref<4x128xi32, #tpu.memory_space<vmem>>, vector<16xi32>,
    %gather3A_379 = tpu.vector_load_idx %arg16[%add3A_17, %get3A_374] : memref<128x128xf32, #tpu.memory_space<vmem>>[vector<16xi32>, vector<16xi32>], vector<16xf32>,
    %gather3A_380 = tpu.vector_load_idx %arg19[%add3A_17, %get3A_378] : memref<128x128xf32, #tpu.memory_space<vmem>>[vector<16xi32>, vector<16xi32>], vector<16xf32>,
    %add3A_381 = arith.addf %gather3A_379, %gather3A_380 : vector<16xf32>
    %add3A_382 = arith.addf %add3A_381, %get3A_5 : vector<16xf32>
    %neg3A_383 = arith.constant 0.000000e+00 : f32
    %neg3A_384 = vector.broadcast %neg3A_383 : f32 to vector<16xf32>
    %neg3A_385 = arith.subf %neg3A_384, %add3A_382 : vector<16xf32>
    %exp3A_386 = math.exp %neg3A_385 : vector<16xf32>
    %add3A_387 = arith.constant 1.000000e+00 : f32
    %add3A_388 = vector.broadcast %add3A_387 : f32 to vector<16xf32>
    %add3A_389 = arith.addf %add3A_388, %exp3A_386 : vector<16xf32>
    %div3A_390 = arith.constant 1.000000e+00 : f32
    %div3A_391 = vector.broadcast %div3A_390 : f32 to vector<16xf32>
    %div3A_392 = arith.divf %div3A_391, %add3A_389 : vector<16xf32>
    %swap3A_393 = arith.constant 176 : index
    %swap3A_394 = tpu.vector_load %arg21[%swap3A_393] {strides = array<i32>} : memref<512xf32, #tpu.memory_space<vmem>>, vector<16xf32>,
    tpu.vector_store %arg21[%swap3A_393], %div3A_392 {strides = array<i32>} : memref<512xf32, #tpu.memory_space<vmem>>, vector<16xf32>,
    %get3A_395 = arith.constant 1 : i32
    %get3A_396 = arith.index_cast %get3A_395 : i32 to index
    %get3A_397 = arith.constant 64 : index
    %get3A_398 = tpu.vector_load %arg12[%get3A_396, %get3A_397] {strides = array<i32>} : memref<4x128xi32, #tpu.memory_space<vmem>>, vector<16xi32>,
    %get3A_399 = arith.constant 1 : i32
    %get3A_400 = arith.index_cast %get3A_399 : i32 to index
    %get3A_401 = arith.constant 64 : index
    %get3A_402 = tpu.vector_load %arg13[%get3A_400, %get3A_401] {strides = array<i32>} : memref<4x128xi32, #tpu.memory_space<vmem>>, vector<16xi32>,
    %gather3A_403 = tpu.vector_load_idx %arg16[%add3A_20, %get3A_398] : memref<128x128xf32, #tpu.memory_space<vmem>>[vector<16xi32>, vector<16xi32>], vector<16xf32>,
    %gather3A_404 = tpu.vector_load_idx %arg19[%add3A_20, %get3A_402] : memref<128x128xf32, #tpu.memory_space<vmem>>[vector<16xi32>, vector<16xi32>], vector<16xf32>,
    %add3A_405 = arith.addf %gather3A_403, %gather3A_404 : vector<16xf32>
    %add3A_406 = arith.addf %add3A_405, %get3A_5 : vector<16xf32>
    %neg3A_407 = arith.constant 0.000000e+00 : f32
    %neg3A_408 = vector.broadcast %neg3A_407 : f32 to vector<16xf32>
    %neg3A_409 = arith.subf %neg3A_408, %add3A_406 : vector<16xf32>
    %exp3A_410 = math.exp %neg3A_409 : vector<16xf32>
    %add3A_411 = arith.constant 1.000000e+00 : f32
    %add3A_412 = vector.broadcast %add3A_411 : f32 to vector<16xf32>
    %add3A_413 = arith.addf %add3A_412, %exp3A_410 : vector<16xf32>
    %div3A_414 = arith.constant 1.000000e+00 : f32
    %div3A_415 = vector.broadcast %div3A_414 : f32 to vector<16xf32>
    %div3A_416 = arith.divf %div3A_415, %add3A_413 : vector<16xf32>
    %swap3A_417 = arith.constant 192 : index
    %swap3A_418 = tpu.vector_load %arg21[%swap3A_417] {strides = array<i32>} : memref<512xf32, #tpu.memory_space<vmem>>, vector<16xf32>,
    tpu.vector_store %arg21[%swap3A_417], %div3A_416 {strides = array<i32>} : memref<512xf32, #tpu.memory_space<vmem>>, vector<16xf32>,
    %get3A_419 = arith.constant 1 : i32
    %get3A_420 = arith.index_cast %get3A_419 : i32 to index
    %get3A_421 = arith.constant 80 : index
    %get3A_422 = tpu.vector_load %arg12[%get3A_420, %get3A_421] {strides = array<i32>} : memref<4x128xi32, #tpu.memory_space<vmem>>, vector<16xi32>,
    %get3A_423 = arith.constant 1 : i32
    %get3A_424 = arith.index_cast %get3A_423 : i32 to index
    %get3A_425 = arith.constant 80 : index
    %get3A_426 = tpu.vector_load %arg13[%get3A_424, %get3A_425] {strides = array<i32>} : memref<4x128xi32, #tpu.memory_space<vmem>>, vector<16xi32>,
    %gather3A_427 = tpu.vector_load_idx %arg16[%add3A_23, %get3A_422] : memref<128x128xf32, #tpu.memory_space<vmem>>[vector<16xi32>, vector<16xi32>], vector<16xf32>,
    %gather3A_428 = tpu.vector_load_idx %arg19[%add3A_23, %get3A_426] : memref<128x128xf32, #tpu.memory_space<vmem>>[vector<16xi32>, vector<16xi32>], vector<16xf32>,
    %add3A_429 = arith.addf %gather3A_427, %gather3A_428 : vector<16xf32>
    %add3A_430 = arith.addf %add3A_429, %get3A_5 : vector<16xf32>
    %neg3A_431 = arith.constant 0.000000e+00 : f32
    %neg3A_432 = vector.broadcast %neg3A_431 : f32 to vector<16xf32>
    %neg3A_433 = arith.subf %neg3A_432, %add3A_430 : vector<16xf32>
    %exp3A_434 = math.exp %neg3A_433 : vector<16xf32>
    %add3A_435 = arith.constant 1.000000e+00 : f32
    %add3A_436 = vector.broadcast %add3A_435 : f32 to vector<16xf32>
    %add3A_437 = arith.addf %add3A_436, %exp3A_434 : vector<16xf32>
    %div3A_438 = arith.constant 1.000000e+00 : f32
    %div3A_439 = vector.broadcast %div3A_438 : f32 to vector<16xf32>
    %div3A_440 = arith.divf %div3A_439, %add3A_437 : vector<16xf32>
    %swap3A_441 = arith.constant 208 : index
    %swap3A_442 = tpu.vector_load %arg21[%swap3A_441] {strides = array<i32>} : memref<512xf32, #tpu.memory_space<vmem>>, vector<16xf32>,
    tpu.vector_store %arg21[%swap3A_441], %div3A_440 {strides = array<i32>} : memref<512xf32, #tpu.memory_space<vmem>>, vector<16xf32>,
    %get3A_443 = arith.constant 1 : i32
    %get3A_444 = arith.index_cast %get3A_443 : i32 to index
    %get3A_445 = arith.constant 96 : index
    %get3A_446 = tpu.vector_load %arg12[%get3A_444, %get3A_445] {strides = array<i32>} : memref<4x128xi32, #tpu.memory_space<vmem>>, vector<16xi32>,
    %get3A_447 = arith.constant 1 : i32
    %get3A_448 = arith.index_cast %get3A_447 : i32 to index
    %get3A_449 = arith.constant 96 : index
    %get3A_450 = tpu.vector_load %arg13[%get3A_448, %get3A_449] {strides = array<i32>} : memref<4x128xi32, #tpu.memory_space<vmem>>, vector<16xi32>,
    %gather3A_451 = tpu.vector_load_idx %arg16[%add3A_26, %get3A_446] : memref<128x128xf32, #tpu.memory_space<vmem>>[vector<16xi32>, vector<16xi32>], vector<16xf32>,
    %gather3A_452 = tpu.vector_load_idx %arg19[%add3A_26, %get3A_450] : memref<128x128xf32, #tpu.memory_space<vmem>>[vector<16xi32>, vector<16xi32>], vector<16xf32>,
    %add3A_453 = arith.addf %gather3A_451, %gather3A_452 : vector<16xf32>
    %add3A_454 = arith.addf %add3A_453, %get3A_5 : vector<16xf32>
    %neg3A_455 = arith.constant 0.000000e+00 : f32
    %neg3A_456 = vector.broadcast %neg3A_455 : f32 to vector<16xf32>
    %neg3A_457 = arith.subf %neg3A_456, %add3A_454 : vector<16xf32>
    %exp3A_458 = math.exp %neg3A_457 : vector<16xf32>
    %add3A_459 = arith.constant 1.000000e+00 : f32
    %add3A_460 = vector.broadcast %add3A_459 : f32 to vector<16xf32>
    %add3A_461 = arith.addf %add3A_460, %exp3A_458 : vector<16xf32>
    %div3A_462 = arith.constant 1.000000e+00 : f32
    %div3A_463 = vector.broadcast %div3A_462 : f32 to vector<16xf32>
    %div3A_464 = arith.divf %div3A_463, %add3A_461 : vector<16xf32>
    %swap3A_465 = arith.constant 224 : index
    %swap3A_466 = tpu.vector_load %arg21[%swap3A_465] {strides = array<i32>} : memref<512xf32, #tpu.memory_space<vmem>>, vector<16xf32>,
    tpu.vector_store %arg21[%swap3A_465], %div3A_464 {strides = array<i32>} : memref<512xf32, #tpu.memory_space<vmem>>, vector<16xf32>,
    %get3A_467 = arith.constant 1 : i32
    %get3A_468 = arith.index_cast %get3A_467 : i32 to index
    %get3A_469 = arith.constant 112 : index
    %get3A_470 = tpu.vector_load %arg12[%get3A_468, %get3A_469] {strides = array<i32>} : memref<4x128xi32, #tpu.memory_space<vmem>>, vector<16xi32>,
    %get3A_471 = arith.constant 1 : i32
    %get3A_472 = arith.index_cast %get3A_471 : i32 to index
    %get3A_473 = arith.constant 112 : index
    %get3A_474 = tpu.vector_load %arg13[%get3A_472, %get3A_473] {strides = array<i32>} : memref<4x128xi32, #tpu.memory_space<vmem>>, vector<16xi32>,
    %gather3A_475 = tpu.vector_load_idx %arg16[%add3A_29, %get3A_470] : memref<128x128xf32, #tpu.memory_space<vmem>>[vector<16xi32>, vector<16xi32>], vector<16xf32>,
    %gather3A_476 = tpu.vector_load_idx %arg19[%add3A_29, %get3A_474] : memref<128x128xf32, #tpu.memory_space<vmem>>[vector<16xi32>, vector<16xi32>], vector<16xf32>,
    %add3A_477 = arith.addf %gather3A_475, %gather3A_476 : vector<16xf32>
    %add3A_478 = arith.addf %add3A_477, %get3A_5 : vector<16xf32>
    %neg3A_479 = arith.constant 0.000000e+00 : f32
    %neg3A_480 = vector.broadcast %neg3A_479 : f32 to vector<16xf32>
    %neg3A_481 = arith.subf %neg3A_480, %add3A_478 : vector<16xf32>
    %exp3A_482 = math.exp %neg3A_481 : vector<16xf32>
    %add3A_483 = arith.constant 1.000000e+00 : f32
    %add3A_484 = vector.broadcast %add3A_483 : f32 to vector<16xf32>
    %add3A_485 = arith.addf %add3A_484, %exp3A_482 : vector<16xf32>
    %div3A_486 = arith.constant 1.000000e+00 : f32
    %div3A_487 = vector.broadcast %div3A_486 : f32 to vector<16xf32>
    %div3A_488 = arith.divf %div3A_487, %add3A_485 : vector<16xf32>
    %swap3A_489 = arith.constant 240 : index
    %swap3A_490 = tpu.vector_load %arg21[%swap3A_489] {strides = array<i32>} : memref<512xf32, #tpu.memory_space<vmem>>, vector<16xf32>,
    tpu.vector_store %arg21[%swap3A_489], %div3A_488 {strides = array<i32>} : memref<512xf32, #tpu.memory_space<vmem>>, vector<16xf32>,
    %dma_wait3A_491 = arith.constant 2 : i32
    %dma_wait3A_492 = arith.constant 0 : i32
    %dma_wait3A_493 = tpu.memref_slice %arg10[%dma_wait3A_491, %dma_wait3A_492] : memref<4x128xi32, #tpu.memory_space<vmem>> -> memref<1x128xi32, #tpu.memory_space<vmem>>
    %dma_wait3A_494 = tpu.memref_squeeze %dma_wait3A_493 : memref<1x128xi32, #tpu.memory_space<vmem>> -> memref<128xi32, #tpu.memory_space<vmem>>
    %dma_wait3A_495 = arith.constant 0 : i32
    %dma_wait3A_496 = arith.constant 0 : i32
    %dma_wait3A_497 = tpu.memref_slice %arg2[%dma_wait3A_495, %dma_wait3A_496] : memref<7813x128xf32, #tpu.memory_space<hbm>> -> memref<7813x128xf32, #tpu.memory_space<hbm>>
    tpu.wait_indirect_dma semaphore(%arg24 : memref<!tpu.dma_semaphore, #tpu.memory_space<semaphore_mem>>) src(%dma_wait3A_497 : memref<7813x128xf32, #tpu.memory_space<hbm>>) dst(%arg17 : memref<128x128xf32, #tpu.memory_space<vmem>>)
    %dma_wait3A_498 = arith.constant 2 : i32
    %dma_wait3A_499 = arith.constant 0 : i32
    %dma_wait3A_500 = tpu.memref_slice %arg11[%dma_wait3A_498, %dma_wait3A_499] : memref<4x128xi32, #tpu.memory_space<vmem>> -> memref<1x128xi32, #tpu.memory_space<vmem>>
    %dma_wait3A_501 = tpu.memref_squeeze %dma_wait3A_500 : memref<1x128xi32, #tpu.memory_space<vmem>> -> memref<128xi32, #tpu.memory_space<vmem>>
    %dma_wait3A_502 = arith.constant 0 : i32
    %dma_wait3A_503 = arith.constant 0 : i32
    %dma_wait3A_504 = tpu.memref_slice %arg3[%dma_wait3A_502, %dma_wait3A_503] : memref<7813x128xf32, #tpu.memory_space<hbm>> -> memref<7813x128xf32, #tpu.memory_space<hbm>>
    tpu.wait_indirect_dma semaphore(%arg24 : memref<!tpu.dma_semaphore, #tpu.memory_space<semaphore_mem>>) src(%dma_wait3A_504 : memref<7813x128xf32, #tpu.memory_space<hbm>>) dst(%arg20 : memref<128x128xf32, #tpu.memory_space<vmem>>)
    %get3A_505 = arith.constant 2 : i32
    %get3A_506 = arith.index_cast %get3A_505 : i32 to index
    %get3A_507 = arith.constant 0 : index
    %get3A_508 = tpu.vector_load %arg12[%get3A_506, %get3A_507] {strides = array<i32>} : memref<4x128xi32, #tpu.memory_space<vmem>>, vector<16xi32>,
    %get3A_509 = arith.constant 2 : i32
    %get3A_510 = arith.index_cast %get3A_509 : i32 to index
    %get3A_511 = arith.constant 0 : index
    %get3A_512 = tpu.vector_load %arg13[%get3A_510, %get3A_511] {strides = array<i32>} : memref<4x128xi32, #tpu.memory_space<vmem>>, vector<16xi32>,
    %gather3A_513 = tpu.vector_load_idx %arg17[%add3A_8, %get3A_508] : memref<128x128xf32, #tpu.memory_space<vmem>>[vector<16xi32>, vector<16xi32>], vector<16xf32>,
    %gather3A_514 = tpu.vector_load_idx %arg20[%add3A_8, %get3A_512] : memref<128x128xf32, #tpu.memory_space<vmem>>[vector<16xi32>, vector<16xi32>], vector<16xf32>,
    %add3A_515 = arith.addf %gather3A_513, %gather3A_514 : vector<16xf32>
    %add3A_516 = arith.addf %add3A_515, %get3A_5 : vector<16xf32>
    %neg3A_517 = arith.constant 0.000000e+00 : f32
    %neg3A_518 = vector.broadcast %neg3A_517 : f32 to vector<16xf32>
    %neg3A_519 = arith.subf %neg3A_518, %add3A_516 : vector<16xf32>
    %exp3A_520 = math.exp %neg3A_519 : vector<16xf32>
    %add3A_521 = arith.constant 1.000000e+00 : f32
    %add3A_522 = vector.broadcast %add3A_521 : f32 to vector<16xf32>
    %add3A_523 = arith.addf %add3A_522, %exp3A_520 : vector<16xf32>
    %div3A_524 = arith.constant 1.000000e+00 : f32
    %div3A_525 = vector.broadcast %div3A_524 : f32 to vector<16xf32>
    %div3A_526 = arith.divf %div3A_525, %add3A_523 : vector<16xf32>
    %swap3A_527 = arith.constant 256 : index
    %swap3A_528 = tpu.vector_load %arg21[%swap3A_527] {strides = array<i32>} : memref<512xf32, #tpu.memory_space<vmem>>, vector<16xf32>,
    tpu.vector_store %arg21[%swap3A_527], %div3A_526 {strides = array<i32>} : memref<512xf32, #tpu.memory_space<vmem>>, vector<16xf32>,
    %get3A_529 = arith.constant 2 : i32
    %get3A_530 = arith.index_cast %get3A_529 : i32 to index
    %get3A_531 = arith.constant 16 : index
    %get3A_532 = tpu.vector_load %arg12[%get3A_530, %get3A_531] {strides = array<i32>} : memref<4x128xi32, #tpu.memory_space<vmem>>, vector<16xi32>,
    %get3A_533 = arith.constant 2 : i32
    %get3A_534 = arith.index_cast %get3A_533 : i32 to index
    %get3A_535 = arith.constant 16 : index
    %get3A_536 = tpu.vector_load %arg13[%get3A_534, %get3A_535] {strides = array<i32>} : memref<4x128xi32, #tpu.memory_space<vmem>>, vector<16xi32>,
    %gather3A_537 = tpu.vector_load_idx %arg17[%add3A_11, %get3A_532] : memref<128x128xf32, #tpu.memory_space<vmem>>[vector<16xi32>, vector<16xi32>], vector<16xf32>,
    %gather3A_538 = tpu.vector_load_idx %arg20[%add3A_11, %get3A_536] : memref<128x128xf32, #tpu.memory_space<vmem>>[vector<16xi32>, vector<16xi32>], vector<16xf32>,
    %add3A_539 = arith.addf %gather3A_537, %gather3A_538 : vector<16xf32>
    %add3A_540 = arith.addf %add3A_539, %get3A_5 : vector<16xf32>
    %neg3A_541 = arith.constant 0.000000e+00 : f32
    %neg3A_542 = vector.broadcast %neg3A_541 : f32 to vector<16xf32>
    %neg3A_543 = arith.subf %neg3A_542, %add3A_540 : vector<16xf32>
    %exp3A_544 = math.exp %neg3A_543 : vector<16xf32>
    %add3A_545 = arith.constant 1.000000e+00 : f32
    %add3A_546 = vector.broadcast %add3A_545 : f32 to vector<16xf32>
    %add3A_547 = arith.addf %add3A_546, %exp3A_544 : vector<16xf32>
    %div3A_548 = arith.constant 1.000000e+00 : f32
    %div3A_549 = vector.broadcast %div3A_548 : f32 to vector<16xf32>
    %div3A_550 = arith.divf %div3A_549, %add3A_547 : vector<16xf32>
    %swap3A_551 = arith.constant 272 : index
    %swap3A_552 = tpu.vector_load %arg21[%swap3A_551] {strides = array<i32>} : memref<512xf32, #tpu.memory_space<vmem>>, vector<16xf32>,
    tpu.vector_store %arg21[%swap3A_551], %div3A_550 {strides = array<i32>} : memref<512xf32, #tpu.memory_space<vmem>>, vector<16xf32>,
    %get3A_553 = arith.constant 2 : i32
    %get3A_554 = arith.index_cast %get3A_553 : i32 to index
    %get3A_555 = arith.constant 32 : index
    %get3A_556 = tpu.vector_load %arg12[%get3A_554, %get3A_555] {strides = array<i32>} : memref<4x128xi32, #tpu.memory_space<vmem>>, vector<16xi32>,
    %get3A_557 = arith.constant 2 : i32
    %get3A_558 = arith.index_cast %get3A_557 : i32 to index
    %get3A_559 = arith.constant 32 : index
    %get3A_560 = tpu.vector_load %arg13[%get3A_558, %get3A_559] {strides = array<i32>} : memref<4x128xi32, #tpu.memory_space<vmem>>, vector<16xi32>,
    %gather3A_561 = tpu.vector_load_idx %arg17[%add3A_14, %get3A_556] : memref<128x128xf32, #tpu.memory_space<vmem>>[vector<16xi32>, vector<16xi32>], vector<16xf32>,
    %gather3A_562 = tpu.vector_load_idx %arg20[%add3A_14, %get3A_560] : memref<128x128xf32, #tpu.memory_space<vmem>>[vector<16xi32>, vector<16xi32>], vector<16xf32>,
    %add3A_563 = arith.addf %gather3A_561, %gather3A_562 : vector<16xf32>
    %add3A_564 = arith.addf %add3A_563, %get3A_5 : vector<16xf32>
    %neg3A_565 = arith.constant 0.000000e+00 : f32
    %neg3A_566 = vector.broadcast %neg3A_565 : f32 to vector<16xf32>
    %neg3A_567 = arith.subf %neg3A_566, %add3A_564 : vector<16xf32>
    %exp3A_568 = math.exp %neg3A_567 : vector<16xf32>
    %add3A_569 = arith.constant 1.000000e+00 : f32
    %add3A_570 = vector.broadcast %add3A_569 : f32 to vector<16xf32>
    %add3A_571 = arith.addf %add3A_570, %exp3A_568 : vector<16xf32>
    %div3A_572 = arith.constant 1.000000e+00 : f32
    %div3A_573 = vector.broadcast %div3A_572 : f32 to vector<16xf32>
    %div3A_574 = arith.divf %div3A_573, %add3A_571 : vector<16xf32>
    %swap3A_575 = arith.constant 288 : index
    %swap3A_576 = tpu.vector_load %arg21[%swap3A_575] {strides = array<i32>} : memref<512xf32, #tpu.memory_space<vmem>>, vector<16xf32>,
    tpu.vector_store %arg21[%swap3A_575], %div3A_574 {strides = array<i32>} : memref<512xf32, #tpu.memory_space<vmem>>, vector<16xf32>,
    %get3A_577 = arith.constant 2 : i32
    %get3A_578 = arith.index_cast %get3A_577 : i32 to index
    %get3A_579 = arith.constant 48 : index
    %get3A_580 = tpu.vector_load %arg12[%get3A_578, %get3A_579] {strides = array<i32>} : memref<4x128xi32, #tpu.memory_space<vmem>>, vector<16xi32>,
    %get3A_581 = arith.constant 2 : i32
    %get3A_582 = arith.index_cast %get3A_581 : i32 to index
    %get3A_583 = arith.constant 48 : index
    %get3A_584 = tpu.vector_load %arg13[%get3A_582, %get3A_583] {strides = array<i32>} : memref<4x128xi32, #tpu.memory_space<vmem>>, vector<16xi32>,
    %gather3A_585 = tpu.vector_load_idx %arg17[%add3A_17, %get3A_580] : memref<128x128xf32, #tpu.memory_space<vmem>>[vector<16xi32>, vector<16xi32>], vector<16xf32>,
    %gather3A_586 = tpu.vector_load_idx %arg20[%add3A_17, %get3A_584] : memref<128x128xf32, #tpu.memory_space<vmem>>[vector<16xi32>, vector<16xi32>], vector<16xf32>,
    %add3A_587 = arith.addf %gather3A_585, %gather3A_586 : vector<16xf32>
    %add3A_588 = arith.addf %add3A_587, %get3A_5 : vector<16xf32>
    %neg3A_589 = arith.constant 0.000000e+00 : f32
    %neg3A_590 = vector.broadcast %neg3A_589 : f32 to vector<16xf32>
    %neg3A_591 = arith.subf %neg3A_590, %add3A_588 : vector<16xf32>
    %exp3A_592 = math.exp %neg3A_591 : vector<16xf32>
    %add3A_593 = arith.constant 1.000000e+00 : f32
    %add3A_594 = vector.broadcast %add3A_593 : f32 to vector<16xf32>
    %add3A_595 = arith.addf %add3A_594, %exp3A_592 : vector<16xf32>
    %div3A_596 = arith.constant 1.000000e+00 : f32
    %div3A_597 = vector.broadcast %div3A_596 : f32 to vector<16xf32>
    %div3A_598 = arith.divf %div3A_597, %add3A_595 : vector<16xf32>
    %swap3A_599 = arith.constant 304 : index
    %swap3A_600 = tpu.vector_load %arg21[%swap3A_599] {strides = array<i32>} : memref<512xf32, #tpu.memory_space<vmem>>, vector<16xf32>,
    tpu.vector_store %arg21[%swap3A_599], %div3A_598 {strides = array<i32>} : memref<512xf32, #tpu.memory_space<vmem>>, vector<16xf32>,
    %get3A_601 = arith.constant 2 : i32
    %get3A_602 = arith.index_cast %get3A_601 : i32 to index
    %get3A_603 = arith.constant 64 : index
    %get3A_604 = tpu.vector_load %arg12[%get3A_602, %get3A_603] {strides = array<i32>} : memref<4x128xi32, #tpu.memory_space<vmem>>, vector<16xi32>,
    %get3A_605 = arith.constant 2 : i32
    %get3A_606 = arith.index_cast %get3A_605 : i32 to index
    %get3A_607 = arith.constant 64 : index
    %get3A_608 = tpu.vector_load %arg13[%get3A_606, %get3A_607] {strides = array<i32>} : memref<4x128xi32, #tpu.memory_space<vmem>>, vector<16xi32>,
    %gather3A_609 = tpu.vector_load_idx %arg17[%add3A_20, %get3A_604] : memref<128x128xf32, #tpu.memory_space<vmem>>[vector<16xi32>, vector<16xi32>], vector<16xf32>,
    %gather3A_610 = tpu.vector_load_idx %arg20[%add3A_20, %get3A_608] : memref<128x128xf32, #tpu.memory_space<vmem>>[vector<16xi32>, vector<16xi32>], vector<16xf32>,
    %add3A_611 = arith.addf %gather3A_609, %gather3A_610 : vector<16xf32>
    %add3A_612 = arith.addf %add3A_611, %get3A_5 : vector<16xf32>
    %neg3A_613 = arith.constant 0.000000e+00 : f32
    %neg3A_614 = vector.broadcast %neg3A_613 : f32 to vector<16xf32>
    %neg3A_615 = arith.subf %neg3A_614, %add3A_612 : vector<16xf32>
    %exp3A_616 = math.exp %neg3A_615 : vector<16xf32>
    %add3A_617 = arith.constant 1.000000e+00 : f32
    %add3A_618 = vector.broadcast %add3A_617 : f32 to vector<16xf32>
    %add3A_619 = arith.addf %add3A_618, %exp3A_616 : vector<16xf32>
    %div3A_620 = arith.constant 1.000000e+00 : f32
    %div3A_621 = vector.broadcast %div3A_620 : f32 to vector<16xf32>
    %div3A_622 = arith.divf %div3A_621, %add3A_619 : vector<16xf32>
    %swap3A_623 = arith.constant 320 : index
    %swap3A_624 = tpu.vector_load %arg21[%swap3A_623] {strides = array<i32>} : memref<512xf32, #tpu.memory_space<vmem>>, vector<16xf32>,
    tpu.vector_store %arg21[%swap3A_623], %div3A_622 {strides = array<i32>} : memref<512xf32, #tpu.memory_space<vmem>>, vector<16xf32>,
    %get3A_625 = arith.constant 2 : i32
    %get3A_626 = arith.index_cast %get3A_625 : i32 to index
    %get3A_627 = arith.constant 80 : index
    %get3A_628 = tpu.vector_load %arg12[%get3A_626, %get3A_627] {strides = array<i32>} : memref<4x128xi32, #tpu.memory_space<vmem>>, vector<16xi32>,
    %get3A_629 = arith.constant 2 : i32
    %get3A_630 = arith.index_cast %get3A_629 : i32 to index
    %get3A_631 = arith.constant 80 : index
    %get3A_632 = tpu.vector_load %arg13[%get3A_630, %get3A_631] {strides = array<i32>} : memref<4x128xi32, #tpu.memory_space<vmem>>, vector<16xi32>,
    %gather3A_633 = tpu.vector_load_idx %arg17[%add3A_23, %get3A_628] : memref<128x128xf32, #tpu.memory_space<vmem>>[vector<16xi32>, vector<16xi32>], vector<16xf32>,
    %gather3A_634 = tpu.vector_load_idx %arg20[%add3A_23, %get3A_632] : memref<128x128xf32, #tpu.memory_space<vmem>>[vector<16xi32>, vector<16xi32>], vector<16xf32>,
    %add3A_635 = arith.addf %gather3A_633, %gather3A_634 : vector<16xf32>
    %add3A_636 = arith.addf %add3A_635, %get3A_5 : vector<16xf32>
    %neg3A_637 = arith.constant 0.000000e+00 : f32
    %neg3A_638 = vector.broadcast %neg3A_637 : f32 to vector<16xf32>
    %neg3A_639 = arith.subf %neg3A_638, %add3A_636 : vector<16xf32>
    %exp3A_640 = math.exp %neg3A_639 : vector<16xf32>
    %add3A_641 = arith.constant 1.000000e+00 : f32
    %add3A_642 = vector.broadcast %add3A_641 : f32 to vector<16xf32>
    %add3A_643 = arith.addf %add3A_642, %exp3A_640 : vector<16xf32>
    %div3A_644 = arith.constant 1.000000e+00 : f32
    %div3A_645 = vector.broadcast %div3A_644 : f32 to vector<16xf32>
    %div3A_646 = arith.divf %div3A_645, %add3A_643 : vector<16xf32>
    %swap3A_647 = arith.constant 336 : index
    %swap3A_648 = tpu.vector_load %arg21[%swap3A_647] {strides = array<i32>} : memref<512xf32, #tpu.memory_space<vmem>>, vector<16xf32>,
    tpu.vector_store %arg21[%swap3A_647], %div3A_646 {strides = array<i32>} : memref<512xf32, #tpu.memory_space<vmem>>, vector<16xf32>,
    %get3A_649 = arith.constant 2 : i32
    %get3A_650 = arith.index_cast %get3A_649 : i32 to index
    %get3A_651 = arith.constant 96 : index
    %get3A_652 = tpu.vector_load %arg12[%get3A_650, %get3A_651] {strides = array<i32>} : memref<4x128xi32, #tpu.memory_space<vmem>>, vector<16xi32>,
    %get3A_653 = arith.constant 2 : i32
    %get3A_654 = arith.index_cast %get3A_653 : i32 to index
    %get3A_655 = arith.constant 96 : index
    %get3A_656 = tpu.vector_load %arg13[%get3A_654, %get3A_655] {strides = array<i32>} : memref<4x128xi32, #tpu.memory_space<vmem>>, vector<16xi32>,
    %gather3A_657 = tpu.vector_load_idx %arg17[%add3A_26, %get3A_652] : memref<128x128xf32, #tpu.memory_space<vmem>>[vector<16xi32>, vector<16xi32>], vector<16xf32>,
    %gather3A_658 = tpu.vector_load_idx %arg20[%add3A_26, %get3A_656] : memref<128x128xf32, #tpu.memory_space<vmem>>[vector<16xi32>, vector<16xi32>], vector<16xf32>,
    %add3A_659 = arith.addf %gather3A_657, %gather3A_658 : vector<16xf32>
    %add3A_660 = arith.addf %add3A_659, %get3A_5 : vector<16xf32>
    %neg3A_661 = arith.constant 0.000000e+00 : f32
    %neg3A_662 = vector.broadcast %neg3A_661 : f32 to vector<16xf32>
    %neg3A_663 = arith.subf %neg3A_662, %add3A_660 : vector<16xf32>
    %exp3A_664 = math.exp %neg3A_663 : vector<16xf32>
    %add3A_665 = arith.constant 1.000000e+00 : f32
    %add3A_666 = vector.broadcast %add3A_665 : f32 to vector<16xf32>
    %add3A_667 = arith.addf %add3A_666, %exp3A_664 : vector<16xf32>
    %div3A_668 = arith.constant 1.000000e+00 : f32
    %div3A_669 = vector.broadcast %div3A_668 : f32 to vector<16xf32>
    %div3A_670 = arith.divf %div3A_669, %add3A_667 : vector<16xf32>
    %swap3A_671 = arith.constant 352 : index
    %swap3A_672 = tpu.vector_load %arg21[%swap3A_671] {strides = array<i32>} : memref<512xf32, #tpu.memory_space<vmem>>, vector<16xf32>,
    tpu.vector_store %arg21[%swap3A_671], %div3A_670 {strides = array<i32>} : memref<512xf32, #tpu.memory_space<vmem>>, vector<16xf32>,
    %get3A_673 = arith.constant 2 : i32
    %get3A_674 = arith.index_cast %get3A_673 : i32 to index
    %get3A_675 = arith.constant 112 : index
    %get3A_676 = tpu.vector_load %arg12[%get3A_674, %get3A_675] {strides = array<i32>} : memref<4x128xi32, #tpu.memory_space<vmem>>, vector<16xi32>,
    %get3A_677 = arith.constant 2 : i32
    %get3A_678 = arith.index_cast %get3A_677 : i32 to index
    %get3A_679 = arith.constant 112 : index
    %get3A_680 = tpu.vector_load %arg13[%get3A_678, %get3A_679] {strides = array<i32>} : memref<4x128xi32, #tpu.memory_space<vmem>>, vector<16xi32>,
    %gather3A_681 = tpu.vector_load_idx %arg17[%add3A_29, %get3A_676] : memref<128x128xf32, #tpu.memory_space<vmem>>[vector<16xi32>, vector<16xi32>], vector<16xf32>,
    %gather3A_682 = tpu.vector_load_idx %arg20[%add3A_29, %get3A_680] : memref<128x128xf32, #tpu.memory_space<vmem>>[vector<16xi32>, vector<16xi32>], vector<16xf32>,
    %add3A_683 = arith.addf %gather3A_681, %gather3A_682 : vector<16xf32>
    %add3A_684 = arith.addf %add3A_683, %get3A_5 : vector<16xf32>
    %neg3A_685 = arith.constant 0.000000e+00 : f32
    %neg3A_686 = vector.broadcast %neg3A_685 : f32 to vector<16xf32>
    %neg3A_687 = arith.subf %neg3A_686, %add3A_684 : vector<16xf32>
    %exp3A_688 = math.exp %neg3A_687 : vector<16xf32>
    %add3A_689 = arith.constant 1.000000e+00 : f32
    %add3A_690 = vector.broadcast %add3A_689 : f32 to vector<16xf32>
    %add3A_691 = arith.addf %add3A_690, %exp3A_688 : vector<16xf32>
    %div3A_692 = arith.constant 1.000000e+00 : f32
    %div3A_693 = vector.broadcast %div3A_692 : f32 to vector<16xf32>
    %div3A_694 = arith.divf %div3A_693, %add3A_691 : vector<16xf32>
    %swap3A_695 = arith.constant 368 : index
    %swap3A_696 = tpu.vector_load %arg21[%swap3A_695] {strides = array<i32>} : memref<512xf32, #tpu.memory_space<vmem>>, vector<16xf32>,
    tpu.vector_store %arg21[%swap3A_695], %div3A_694 {strides = array<i32>} : memref<512xf32, #tpu.memory_space<vmem>>, vector<16xf32>,
    %dma_wait3A_697 = arith.constant 3 : i32
    %dma_wait3A_698 = arith.constant 0 : i32
    %dma_wait3A_699 = tpu.memref_slice %arg10[%dma_wait3A_697, %dma_wait3A_698] : memref<4x128xi32, #tpu.memory_space<vmem>> -> memref<1x128xi32, #tpu.memory_space<vmem>>
    %dma_wait3A_700 = tpu.memref_squeeze %dma_wait3A_699 : memref<1x128xi32, #tpu.memory_space<vmem>> -> memref<128xi32, #tpu.memory_space<vmem>>
    %dma_wait3A_701 = arith.constant 0 : i32
    %dma_wait3A_702 = arith.constant 0 : i32
    %dma_wait3A_703 = tpu.memref_slice %arg2[%dma_wait3A_701, %dma_wait3A_702] : memref<7813x128xf32, #tpu.memory_space<hbm>> -> memref<7813x128xf32, #tpu.memory_space<hbm>>
    tpu.wait_indirect_dma semaphore(%arg22 : memref<!tpu.dma_semaphore, #tpu.memory_space<semaphore_mem>>) src(%dma_wait3A_703 : memref<7813x128xf32, #tpu.memory_space<hbm>>) dst(%arg15 : memref<128x128xf32, #tpu.memory_space<vmem>>)
    %dma_wait3A_704 = arith.constant 3 : i32
    %dma_wait3A_705 = arith.constant 0 : i32
    %dma_wait3A_706 = tpu.memref_slice %arg11[%dma_wait3A_704, %dma_wait3A_705] : memref<4x128xi32, #tpu.memory_space<vmem>> -> memref<1x128xi32, #tpu.memory_space<vmem>>
    %dma_wait3A_707 = tpu.memref_squeeze %dma_wait3A_706 : memref<1x128xi32, #tpu.memory_space<vmem>> -> memref<128xi32, #tpu.memory_space<vmem>>
    %dma_wait3A_708 = arith.constant 0 : i32
    %dma_wait3A_709 = arith.constant 0 : i32
    %dma_wait3A_710 = tpu.memref_slice %arg3[%dma_wait3A_708, %dma_wait3A_709] : memref<7813x128xf32, #tpu.memory_space<hbm>> -> memref<7813x128xf32, #tpu.memory_space<hbm>>
    tpu.wait_indirect_dma semaphore(%arg22 : memref<!tpu.dma_semaphore, #tpu.memory_space<semaphore_mem>>) src(%dma_wait3A_710 : memref<7813x128xf32, #tpu.memory_space<hbm>>) dst(%arg18 : memref<128x128xf32, #tpu.memory_space<vmem>>)
    %get3A_711 = arith.constant 3 : i32
    %get3A_712 = arith.index_cast %get3A_711 : i32 to index
    %get3A_713 = arith.constant 0 : index
    %get3A_714 = tpu.vector_load %arg12[%get3A_712, %get3A_713] {strides = array<i32>} : memref<4x128xi32, #tpu.memory_space<vmem>>, vector<16xi32>,
    %get3A_715 = arith.constant 3 : i32
    %get3A_716 = arith.index_cast %get3A_715 : i32 to index
    %get3A_717 = arith.constant 0 : index
    %get3A_718 = tpu.vector_load %arg13[%get3A_716, %get3A_717] {strides = array<i32>} : memref<4x128xi32, #tpu.memory_space<vmem>>, vector<16xi32>,
    %gather3A_719 = tpu.vector_load_idx %arg15[%add3A_8, %get3A_714] : memref<128x128xf32, #tpu.memory_space<vmem>>[vector<16xi32>, vector<16xi32>], vector<16xf32>,
    %gather3A_720 = tpu.vector_load_idx %arg18[%add3A_8, %get3A_718] : memref<128x128xf32, #tpu.memory_space<vmem>>[vector<16xi32>, vector<16xi32>], vector<16xf32>,
    %add3A_721 = arith.addf %gather3A_719, %gather3A_720 : vector<16xf32>
    %add3A_722 = arith.addf %add3A_721, %get3A_5 : vector<16xf32>
    %neg3A_723 = arith.constant 0.000000e+00 : f32
    %neg3A_724 = vector.broadcast %neg3A_723 : f32 to vector<16xf32>
    %neg3A_725 = arith.subf %neg3A_724, %add3A_722 : vector<16xf32>
    %exp3A_726 = math.exp %neg3A_725 : vector<16xf32>
    %add3A_727 = arith.constant 1.000000e+00 : f32
    %add3A_728 = vector.broadcast %add3A_727 : f32 to vector<16xf32>
    %add3A_729 = arith.addf %add3A_728, %exp3A_726 : vector<16xf32>
    %div3A_730 = arith.constant 1.000000e+00 : f32
    %div3A_731 = vector.broadcast %div3A_730 : f32 to vector<16xf32>
    %div3A_732 = arith.divf %div3A_731, %add3A_729 : vector<16xf32>
    %swap3A_733 = arith.constant 384 : index
    %swap3A_734 = tpu.vector_load %arg21[%swap3A_733] {strides = array<i32>} : memref<512xf32, #tpu.memory_space<vmem>>, vector<16xf32>,
    tpu.vector_store %arg21[%swap3A_733], %div3A_732 {strides = array<i32>} : memref<512xf32, #tpu.memory_space<vmem>>, vector<16xf32>,
    %get3A_735 = arith.constant 3 : i32
    %get3A_736 = arith.index_cast %get3A_735 : i32 to index
    %get3A_737 = arith.constant 16 : index
    %get3A_738 = tpu.vector_load %arg12[%get3A_736, %get3A_737] {strides = array<i32>} : memref<4x128xi32, #tpu.memory_space<vmem>>, vector<16xi32>,
    %get3A_739 = arith.constant 3 : i32
    %get3A_740 = arith.index_cast %get3A_739 : i32 to index
    %get3A_741 = arith.constant 16 : index
    %get3A_742 = tpu.vector_load %arg13[%get3A_740, %get3A_741] {strides = array<i32>} : memref<4x128xi32, #tpu.memory_space<vmem>>, vector<16xi32>,
    %gather3A_743 = tpu.vector_load_idx %arg15[%add3A_11, %get3A_738] : memref<128x128xf32, #tpu.memory_space<vmem>>[vector<16xi32>, vector<16xi32>], vector<16xf32>,
    %gather3A_744 = tpu.vector_load_idx %arg18[%add3A_11, %get3A_742] : memref<128x128xf32, #tpu.memory_space<vmem>>[vector<16xi32>, vector<16xi32>], vector<16xf32>,
    %add3A_745 = arith.addf %gather3A_743, %gather3A_744 : vector<16xf32>
    %add3A_746 = arith.addf %add3A_745, %get3A_5 : vector<16xf32>
    %neg3A_747 = arith.constant 0.000000e+00 : f32
    %neg3A_748 = vector.broadcast %neg3A_747 : f32 to vector<16xf32>
    %neg3A_749 = arith.subf %neg3A_748, %add3A_746 : vector<16xf32>
    %exp3A_750 = math.exp %neg3A_749 : vector<16xf32>
    %add3A_751 = arith.constant 1.000000e+00 : f32
    %add3A_752 = vector.broadcast %add3A_751 : f32 to vector<16xf32>
    %add3A_753 = arith.addf %add3A_752, %exp3A_750 : vector<16xf32>
    %div3A_754 = arith.constant 1.000000e+00 : f32
    %div3A_755 = vector.broadcast %div3A_754 : f32 to vector<16xf32>
    %div3A_756 = arith.divf %div3A_755, %add3A_753 : vector<16xf32>
    %swap3A_757 = arith.constant 400 : index
    %swap3A_758 = tpu.vector_load %arg21[%swap3A_757] {strides = array<i32>} : memref<512xf32, #tpu.memory_space<vmem>>, vector<16xf32>,
    tpu.vector_store %arg21[%swap3A_757], %div3A_756 {strides = array<i32>} : memref<512xf32, #tpu.memory_space<vmem>>, vector<16xf32>,
    %get3A_759 = arith.constant 3 : i32
    %get3A_760 = arith.index_cast %get3A_759 : i32 to index
    %get3A_761 = arith.constant 32 : index
    %get3A_762 = tpu.vector_load %arg12[%get3A_760, %get3A_761] {strides = array<i32>} : memref<4x128xi32, #tpu.memory_space<vmem>>, vector<16xi32>,
    %get3A_763 = arith.constant 3 : i32
    %get3A_764 = arith.index_cast %get3A_763 : i32 to index
    %get3A_765 = arith.constant 32 : index
    %get3A_766 = tpu.vector_load %arg13[%get3A_764, %get3A_765] {strides = array<i32>} : memref<4x128xi32, #tpu.memory_space<vmem>>, vector<16xi32>,
    %gather3A_767 = tpu.vector_load_idx %arg15[%add3A_14, %get3A_762] : memref<128x128xf32, #tpu.memory_space<vmem>>[vector<16xi32>, vector<16xi32>], vector<16xf32>,
    %gather3A_768 = tpu.vector_load_idx %arg18[%add3A_14, %get3A_766] : memref<128x128xf32, #tpu.memory_space<vmem>>[vector<16xi32>, vector<16xi32>], vector<16xf32>,
    %add3A_769 = arith.addf %gather3A_767, %gather3A_768 : vector<16xf32>
    %add3A_770 = arith.addf %add3A_769, %get3A_5 : vector<16xf32>
    %neg3A_771 = arith.constant 0.000000e+00 : f32
    %neg3A_772 = vector.broadcast %neg3A_771 : f32 to vector<16xf32>
    %neg3A_773 = arith.subf %neg3A_772, %add3A_770 : vector<16xf32>
    %exp3A_774 = math.exp %neg3A_773 : vector<16xf32>
    %add3A_775 = arith.constant 1.000000e+00 : f32
    %add3A_776 = vector.broadcast %add3A_775 : f32 to vector<16xf32>
    %add3A_777 = arith.addf %add3A_776, %exp3A_774 : vector<16xf32>
    %div3A_778 = arith.constant 1.000000e+00 : f32
    %div3A_779 = vector.broadcast %div3A_778 : f32 to vector<16xf32>
    %div3A_780 = arith.divf %div3A_779, %add3A_777 : vector<16xf32>
    %swap3A_781 = arith.constant 416 : index
    %swap3A_782 = tpu.vector_load %arg21[%swap3A_781] {strides = array<i32>} : memref<512xf32, #tpu.memory_space<vmem>>, vector<16xf32>,
    tpu.vector_store %arg21[%swap3A_781], %div3A_780 {strides = array<i32>} : memref<512xf32, #tpu.memory_space<vmem>>, vector<16xf32>,
    %get3A_783 = arith.constant 3 : i32
    %get3A_784 = arith.index_cast %get3A_783 : i32 to index
    %get3A_785 = arith.constant 48 : index
    %get3A_786 = tpu.vector_load %arg12[%get3A_784, %get3A_785] {strides = array<i32>} : memref<4x128xi32, #tpu.memory_space<vmem>>, vector<16xi32>,
    %get3A_787 = arith.constant 3 : i32
    %get3A_788 = arith.index_cast %get3A_787 : i32 to index
    %get3A_789 = arith.constant 48 : index
    %get3A_790 = tpu.vector_load %arg13[%get3A_788, %get3A_789] {strides = array<i32>} : memref<4x128xi32, #tpu.memory_space<vmem>>, vector<16xi32>,
    %gather3A_791 = tpu.vector_load_idx %arg15[%add3A_17, %get3A_786] : memref<128x128xf32, #tpu.memory_space<vmem>>[vector<16xi32>, vector<16xi32>], vector<16xf32>,
    %gather3A_792 = tpu.vector_load_idx %arg18[%add3A_17, %get3A_790] : memref<128x128xf32, #tpu.memory_space<vmem>>[vector<16xi32>, vector<16xi32>], vector<16xf32>,
    %add3A_793 = arith.addf %gather3A_791, %gather3A_792 : vector<16xf32>
    %add3A_794 = arith.addf %add3A_793, %get3A_5 : vector<16xf32>
    %neg3A_795 = arith.constant 0.000000e+00 : f32
    %neg3A_796 = vector.broadcast %neg3A_795 : f32 to vector<16xf32>
    %neg3A_797 = arith.subf %neg3A_796, %add3A_794 : vector<16xf32>
    %exp3A_798 = math.exp %neg3A_797 : vector<16xf32>
    %add3A_799 = arith.constant 1.000000e+00 : f32
    %add3A_800 = vector.broadcast %add3A_799 : f32 to vector<16xf32>
    %add3A_801 = arith.addf %add3A_800, %exp3A_798 : vector<16xf32>
    %div3A_802 = arith.constant 1.000000e+00 : f32
    %div3A_803 = vector.broadcast %div3A_802 : f32 to vector<16xf32>
    %div3A_804 = arith.divf %div3A_803, %add3A_801 : vector<16xf32>
    %swap3A_805 = arith.constant 432 : index
    %swap3A_806 = tpu.vector_load %arg21[%swap3A_805] {strides = array<i32>} : memref<512xf32, #tpu.memory_space<vmem>>, vector<16xf32>,
    tpu.vector_store %arg21[%swap3A_805], %div3A_804 {strides = array<i32>} : memref<512xf32, #tpu.memory_space<vmem>>, vector<16xf32>,
    %get3A_807 = arith.constant 3 : i32
    %get3A_808 = arith.index_cast %get3A_807 : i32 to index
    %get3A_809 = arith.constant 64 : index
    %get3A_810 = tpu.vector_load %arg12[%get3A_808, %get3A_809] {strides = array<i32>} : memref<4x128xi32, #tpu.memory_space<vmem>>, vector<16xi32>,
    %get3A_811 = arith.constant 3 : i32
    %get3A_812 = arith.index_cast %get3A_811 : i32 to index
    %get3A_813 = arith.constant 64 : index
    %get3A_814 = tpu.vector_load %arg13[%get3A_812, %get3A_813] {strides = array<i32>} : memref<4x128xi32, #tpu.memory_space<vmem>>, vector<16xi32>,
    %gather3A_815 = tpu.vector_load_idx %arg15[%add3A_20, %get3A_810] : memref<128x128xf32, #tpu.memory_space<vmem>>[vector<16xi32>, vector<16xi32>], vector<16xf32>,
    %gather3A_816 = tpu.vector_load_idx %arg18[%add3A_20, %get3A_814] : memref<128x128xf32, #tpu.memory_space<vmem>>[vector<16xi32>, vector<16xi32>], vector<16xf32>,
    %add3A_817 = arith.addf %gather3A_815, %gather3A_816 : vector<16xf32>
    %add3A_818 = arith.addf %add3A_817, %get3A_5 : vector<16xf32>
    %neg3A_819 = arith.constant 0.000000e+00 : f32
    %neg3A_820 = vector.broadcast %neg3A_819 : f32 to vector<16xf32>
    %neg3A_821 = arith.subf %neg3A_820, %add3A_818 : vector<16xf32>
    %exp3A_822 = math.exp %neg3A_821 : vector<16xf32>
    %add3A_823 = arith.constant 1.000000e+00 : f32
    %add3A_824 = vector.broadcast %add3A_823 : f32 to vector<16xf32>
    %add3A_825 = arith.addf %add3A_824, %exp3A_822 : vector<16xf32>
    %div3A_826 = arith.constant 1.000000e+00 : f32
    %div3A_827 = vector.broadcast %div3A_826 : f32 to vector<16xf32>
    %div3A_828 = arith.divf %div3A_827, %add3A_825 : vector<16xf32>
    %swap3A_829 = arith.constant 448 : index
    %swap3A_830 = tpu.vector_load %arg21[%swap3A_829] {strides = array<i32>} : memref<512xf32, #tpu.memory_space<vmem>>, vector<16xf32>,
    tpu.vector_store %arg21[%swap3A_829], %div3A_828 {strides = array<i32>} : memref<512xf32, #tpu.memory_space<vmem>>, vector<16xf32>,
    %get3A_831 = arith.constant 3 : i32
    %get3A_832 = arith.index_cast %get3A_831 : i32 to index
    %get3A_833 = arith.constant 80 : index
    %get3A_834 = tpu.vector_load %arg12[%get3A_832, %get3A_833] {strides = array<i32>} : memref<4x128xi32, #tpu.memory_space<vmem>>, vector<16xi32>,
    %get3A_835 = arith.constant 3 : i32
    %get3A_836 = arith.index_cast %get3A_835 : i32 to index
    %get3A_837 = arith.constant 80 : index
    %get3A_838 = tpu.vector_load %arg13[%get3A_836, %get3A_837] {strides = array<i32>} : memref<4x128xi32, #tpu.memory_space<vmem>>, vector<16xi32>,
    %gather3A_839 = tpu.vector_load_idx %arg15[%add3A_23, %get3A_834] : memref<128x128xf32, #tpu.memory_space<vmem>>[vector<16xi32>, vector<16xi32>], vector<16xf32>,
    %gather3A_840 = tpu.vector_load_idx %arg18[%add3A_23, %get3A_838] : memref<128x128xf32, #tpu.memory_space<vmem>>[vector<16xi32>, vector<16xi32>], vector<16xf32>,
    %add3A_841 = arith.addf %gather3A_839, %gather3A_840 : vector<16xf32>
    %add3A_842 = arith.addf %add3A_841, %get3A_5 : vector<16xf32>
    %neg3A_843 = arith.constant 0.000000e+00 : f32
    %neg3A_844 = vector.broadcast %neg3A_843 : f32 to vector<16xf32>
    %neg3A_845 = arith.subf %neg3A_844, %add3A_842 : vector<16xf32>
    %exp3A_846 = math.exp %neg3A_845 : vector<16xf32>
    %add3A_847 = arith.constant 1.000000e+00 : f32
    %add3A_848 = vector.broadcast %add3A_847 : f32 to vector<16xf32>
    %add3A_849 = arith.addf %add3A_848, %exp3A_846 : vector<16xf32>
    %div3A_850 = arith.constant 1.000000e+00 : f32
    %div3A_851 = vector.broadcast %div3A_850 : f32 to vector<16xf32>
    %div3A_852 = arith.divf %div3A_851, %add3A_849 : vector<16xf32>
    %swap3A_853 = arith.constant 464 : index
    %swap3A_854 = tpu.vector_load %arg21[%swap3A_853] {strides = array<i32>} : memref<512xf32, #tpu.memory_space<vmem>>, vector<16xf32>,
    tpu.vector_store %arg21[%swap3A_853], %div3A_852 {strides = array<i32>} : memref<512xf32, #tpu.memory_space<vmem>>, vector<16xf32>,
    %get3A_855 = arith.constant 3 : i32
    %get3A_856 = arith.index_cast %get3A_855 : i32 to index
    %get3A_857 = arith.constant 96 : index
    %get3A_858 = tpu.vector_load %arg12[%get3A_856, %get3A_857] {strides = array<i32>} : memref<4x128xi32, #tpu.memory_space<vmem>>, vector<16xi32>,
    %get3A_859 = arith.constant 3 : i32
    %get3A_860 = arith.index_cast %get3A_859 : i32 to index
    %get3A_861 = arith.constant 96 : index
    %get3A_862 = tpu.vector_load %arg13[%get3A_860, %get3A_861] {strides = array<i32>} : memref<4x128xi32, #tpu.memory_space<vmem>>, vector<16xi32>,
    %gather3A_863 = tpu.vector_load_idx %arg15[%add3A_26, %get3A_858] : memref<128x128xf32, #tpu.memory_space<vmem>>[vector<16xi32>, vector<16xi32>], vector<16xf32>,
    %gather3A_864 = tpu.vector_load_idx %arg18[%add3A_26, %get3A_862] : memref<128x128xf32, #tpu.memory_space<vmem>>[vector<16xi32>, vector<16xi32>], vector<16xf32>,
    %add3A_865 = arith.addf %gather3A_863, %gather3A_864 : vector<16xf32>
    %add3A_866 = arith.addf %add3A_865, %get3A_5 : vector<16xf32>
    %neg3A_867 = arith.constant 0.000000e+00 : f32
    %neg3A_868 = vector.broadcast %neg3A_867 : f32 to vector<16xf32>
    %neg3A_869 = arith.subf %neg3A_868, %add3A_866 : vector<16xf32>
    %exp3A_870 = math.exp %neg3A_869 : vector<16xf32>
    %add3A_871 = arith.constant 1.000000e+00 : f32
    %add3A_872 = vector.broadcast %add3A_871 : f32 to vector<16xf32>
    %add3A_873 = arith.addf %add3A_872, %exp3A_870 : vector<16xf32>
    %div3A_874 = arith.constant 1.000000e+00 : f32
    %div3A_875 = vector.broadcast %div3A_874 : f32 to vector<16xf32>
    %div3A_876 = arith.divf %div3A_875, %add3A_873 : vector<16xf32>
    %swap3A_877 = arith.constant 480 : index
    %swap3A_878 = tpu.vector_load %arg21[%swap3A_877] {strides = array<i32>} : memref<512xf32, #tpu.memory_space<vmem>>, vector<16xf32>,
    tpu.vector_store %arg21[%swap3A_877], %div3A_876 {strides = array<i32>} : memref<512xf32, #tpu.memory_space<vmem>>, vector<16xf32>,
    %get3A_879 = arith.constant 3 : i32
    %get3A_880 = arith.index_cast %get3A_879 : i32 to index
    %get3A_881 = arith.constant 112 : index
    %get3A_882 = tpu.vector_load %arg12[%get3A_880, %get3A_881] {strides = array<i32>} : memref<4x128xi32, #tpu.memory_space<vmem>>, vector<16xi32>,
    %get3A_883 = arith.constant 3 : i32
    %get3A_884 = arith.index_cast %get3A_883 : i32 to index
    %get3A_885 = arith.constant 112 : index
    %get3A_886 = tpu.vector_load %arg13[%get3A_884, %get3A_885] {strides = array<i32>} : memref<4x128xi32, #tpu.memory_space<vmem>>, vector<16xi32>,
    %gather3A_887 = tpu.vector_load_idx %arg15[%add3A_29, %get3A_882] : memref<128x128xf32, #tpu.memory_space<vmem>>[vector<16xi32>, vector<16xi32>], vector<16xf32>,
    %gather3A_888 = tpu.vector_load_idx %arg18[%add3A_29, %get3A_886] : memref<128x128xf32, #tpu.memory_space<vmem>>[vector<16xi32>, vector<16xi32>], vector<16xf32>,
    %add3A_889 = arith.addf %gather3A_887, %gather3A_888 : vector<16xf32>
    %add3A_890 = arith.addf %add3A_889, %get3A_5 : vector<16xf32>
    %neg3A_891 = arith.constant 0.000000e+00 : f32
    %neg3A_892 = vector.broadcast %neg3A_891 : f32 to vector<16xf32>
    %neg3A_893 = arith.subf %neg3A_892, %add3A_890 : vector<16xf32>
    %exp3A_894 = math.exp %neg3A_893 : vector<16xf32>
    %add3A_895 = arith.constant 1.000000e+00 : f32
    %add3A_896 = vector.broadcast %add3A_895 : f32 to vector<16xf32>
    %add3A_897 = arith.addf %add3A_896, %exp3A_894 : vector<16xf32>
    %div3A_898 = arith.constant 1.000000e+00 : f32
    %div3A_899 = vector.broadcast %div3A_898 : f32 to vector<16xf32>
    %div3A_900 = arith.divf %div3A_899, %add3A_897 : vector<16xf32>
    %swap3A_901 = arith.constant 496 : index
    %swap3A_902 = tpu.vector_load %arg21[%swap3A_901] {strides = array<i32>} : memref<512xf32, #tpu.memory_space<vmem>>, vector<16xf32>,
    tpu.vector_store %arg21[%swap3A_901], %div3A_900 {strides = array<i32>} : memref<512xf32, #tpu.memory_space<vmem>>, vector<16xf32>,
    "tpu.region"() ({
      %run_scoped3A = tpu.sem_alloc : memref<!tpu.dma_semaphore, #tpu.memory_space<semaphore_mem>>
      %dma_start3A_903 = tpu.memref_slice %arg9[%mul3A_2] : memref<16384xf32, #tpu.memory_space<hbm>> -> memref<512xf32, #tpu.memory_space<hbm>>
      %dma_start3A_904 = tpu.memref_slice %arg9[%mul3A_2] : memref<16384xf32, #tpu.memory_space<hbm>> -> memref<512xf32, #tpu.memory_space<hbm>>
      tpu.enqueue_dma source(%arg21 : memref<512xf32, #tpu.memory_space<vmem>>) target(%dma_start3A_904 : memref<512xf32, #tpu.memory_space<hbm>>) target_semaphore(%run_scoped3A : memref<!tpu.dma_semaphore, #tpu.memory_space<semaphore_mem>>)
      %dma_wait3A_905 = tpu.memref_slice %arg9[%mul3A_2] : memref<16384xf32, #tpu.memory_space<hbm>> -> memref<512xf32, #tpu.memory_space<hbm>>
      %dma_wait3A_906 = tpu.memref_slice %arg9[%mul3A_2] : memref<16384xf32, #tpu.memory_space<hbm>> -> memref<512xf32, #tpu.memory_space<hbm>>
      tpu.wait_dma2 semaphore(%run_scoped3A : memref<!tpu.dma_semaphore, #tpu.memory_space<semaphore_mem>>) src(%arg21 : memref<512xf32, #tpu.memory_space<vmem>>) dst(%dma_wait3A_906 : memref<512xf32, #tpu.memory_space<hbm>>)
      tpu.yield
    }) : () -> ()
    return
  }
}

module attributes {stable_mosaic.version = 14 : i64} {
  func.func @_dots_body(%arg0: i32, %arg1: memref<1x189xf32, #tpu.memory_space<vmem>>, %arg2: memref<189x16384xf32, #tpu.memory_space<vmem>>, %arg3: memref<16384xf32, #tpu.memory_space<vmem>>) attributes {dimension_semantics = [#tpu.dimension_semantics<arbitrary>], iteration_bounds = array<i64: 62>, scalar_prefetch = 0 : i64, scratch_operands = 0 : i64, tpu.core_type = #tpu.core_type<tc>, window_params = [{pipeline_mode = #tpu.pipeline_mode<synchronous>, transform_indices = @transform_0, window_bounds = array<i64: 1, 189>}, {transform_indices = @transform_1, window_bounds = array<i64: 189, 16384>}, {transform_indices = @transform_2, window_bounds = array<i64: 16384>}]} {
    %get3A = arith.constant 0 : index
    %get3A_0 = arith.constant 0 : index
    %get3A_1 = vector.load %arg1[%get3A, %get3A_0] : memref<1x189xf32, #tpu.memory_space<vmem>>, vector<1x189xf32>
    %get3A_2 = arith.constant 0 : index
    %get3A_3 = arith.constant 0 : index
    %get3A_4 = vector.load %arg2[%get3A_2, %get3A_3] : memref<189x16384xf32, #tpu.memory_space<vmem>>, vector<189x16384xf32>
    %dot_general3A = arith.constant dense<0.000000e+00> : vector<1x16384xf32>
    %dot_general3A_5 = tpu.matmul %get3A_1, %get3A_4, %dot_general3A {dimension_numbers = #tpu.dot_dimension_numbers<[1], [0], [0], [1], [0, 0, 1, 1], [], []>, transpose_lhs_hint = false} : vector<1x189xf32>, vector<189x16384xf32>, vector<1x16384xf32> -> vector<1x16384xf32>
    %squeeze3A = vector.shape_cast %dot_general3A_5 : vector<1x16384xf32> to vector<16384xf32>
    %swap3A = arith.constant 0 : index
    %swap3A_6 = vector.load %arg3[%swap3A] : memref<16384xf32, #tpu.memory_space<vmem>>, vector<16384xf32>
    tpu.vector_store %arg3[%swap3A], %squeeze3A {strides = array<i32>} : memref<16384xf32, #tpu.memory_space<vmem>>, vector<16384xf32>,
    return
  }
  func.func @transform_0(%arg0: i32) -> (i32, i32) {
    %c0_i32 = arith.constant 0 : i32
    %c0_i32_0 = arith.constant 0 : i32
    %c0_i32_1 = arith.constant 0 : i32
    return %c0_i32, %c0_i32_0 : i32, i32
  }
  func.func @transform_1(%arg0: i32) -> (i32, i32) {
    %c0_i32 = arith.constant 0 : i32
    %c0_i32_0 = arith.constant 0 : i32
    return %c0_i32, %arg0 : i32, i32
  }
  func.func @transform_2(%arg0: i32) -> i32 {
    %c0_i32 = arith.constant 0 : i32
    return %arg0 : i32
  }
}

</mosaic_0001>

<sc_bundles>
// kernel: kernel.5.cloned.1.call-start
scs
__scs_entry_jumppad:
0x0: {  	(pc) =	sbr.rel $0x88, $3  }
0x1: {  	(tag) =	ssettag $0x0;
	lr =	simm.s32 $0x1  }
0x2: {  	[smem:$0x3F94] =	sst lr;
	_ =	strace $0xD0000000  }
0x3: {  	_ = 	snop  }
0x4: {  	_ = 	snop  }
0x5: {  	_ = 	snop  }
0x6: {  	_ = 	snop  }
0x7: {  	_ = 	snop  }
__scs_overlays_trampoline_lowered:
0x8: {  	[smem:$0x3FA3] =	sst s0  }
0x9: {  	[smem:$0x3FA4] =	sst s1  }
0xa: {  	[smem:$0x3FA5] =	sst s2  }
0xb: {  	[smem:$0x3FA6] =	sst s3  }
0xc: {  	[smem:$0x3FA7] =	sst s4  }
0xd: {  	[smem:$0x3FA8] =	sst s5  }
0xe: {  	[smem:$0x3FA9] =	sst s6  }
0xf: {  	[smem:$0x3FAA] =	sst s7  }
0x10: {  	[smem:$0x3FAB] =	sst s8  }
0x11: {  	[smem:$0x3FAC] =	sst s9;
	s0 =	simm.s32 @!p0 $0x0  }
0x12: {  	s1 =	sld [smem:$0x3F92];
	s0 =	simm.s32 @p0 $0x1  }
0x13: {  	[smem:$0x3FAD] =	sst s0;
	s0 =	simm.s32 @!p1 $0x0  }
0x14: {  	s2 =	sld [smem:$0x3F91];
	s0 =	simm.s32 @p1 $0x1  }
0x15: {  	[smem:$0x3FAE] =	sst s0;
	s0 =	simm.s32 @!p2 $0x0  }
0x16: {  	s3 =	sld [smem:$0x3FDB];
	s0 =	simm.s32 @p2 $0x1  }
0x17: {  	s4 =	simm.s32 $0x1BF5;
	[smem:$0x3FB0] =	sst s0  }
0x18: {  	s0 =	sld [smem:$0x3F93];
	_ =	swait.ge [sflag:s4], $0x0  }
0x19: {  	s7 =	sld [smem:$0x3F94]  }
0x1a: {  	s8 =	sadd.s32 $0xFFFFE003, lr  }
0x1b: {  	s9 =	sadd.s32 $0xFFFFFEF7, lr;
	s5 =	simm.s32 $0xFFFFFFFF;
	p2 =	slt.u32 s8, $0xFFFFF086  }
0x1c: {  	p1 =	slt.u32 s9, $0xF7A;
	s5 =	simm.s32 @!p2 $0x0  }
0x1d: {  	s5 =	simm.s32 @p1 $0x1;
	p0 =	seq.s32 s7, s2  }
0x1e: {  	s7 =	smul.u32 @!p0 $0xF7A, s2;
	p2 =	seq.s32 @!p0 s5, $0x0  }
0x1f: {  	s9 =	smul.u32 $0xF7A, s1;
	s8 =	simm.s32 @!p0 $0x1BF5;
	p2 =	por !p2, p0  }
0x20: {  	[sflag:s8] =	ssyncset.s32 @!p0 $0xFFFFF086;
	s6 =	sadd.s32 @!p0 s3, s7;
	s7 =	simm.s32 @!p0 $0x108  }
0x21: {  	s3 =	sadd.s32 s3, s9;
	s6 =	sadd.s32 @!p0 $0x88, s6;
	s7 =	simm.s32 @p2 $0x1082  }
0x22: {  	[simem:s7], [sflag:s8] =	dma.local @!p0 [hbm:s6], $0xF7A  }
0x23: {  	s9 =	sor.u32 $0xD0000000, s2;
	s6 =	simm.s32 $0x108;
	_ =	swait.ge @!p0 [sflag:s8], $0x0  }
0x24: {  	s3 =	sadd.s32 $0x88, s3;
	s6 =	simm.s32 @!p1 $0x1082;
	[sflag:s4] =	ssyncset.s32 $0xFFFFF086  }
0x25: {  	[simem:s6], [sflag:s4] =	dma.local [hbm:s3], $0xF7A  }
0x26: {  	[smem:$0x3F94] =	sst s1;
	(tag) =	ssettag s2;
	_ =	strace s9  }
0x27: {  	s1 =	sld [smem:$0x3FA4]  }
0x28: {  	s2 =	sld [smem:$0x3FA5]  }
0x29: {  	s4 =	sld [smem:$0x3FA7]  }
0x2a: {  	p0 =	seq.s32 s5, $0x0;
	s5 =	sld [smem:$0x3FA8]  }
0x2b: {  	s6 =	sld [smem:$0x3FA9]  }
0x2c: {  	s7 =	sld [smem:$0x3FAA]  }
0x2d: {  	s3 =	simm.s32 $0x108;
	s8 =	sld [smem:$0x3FAB]  }
0x2e: {  	s3 =	simm.s32 @!p0 $0x1082;
	s9 =	sld [smem:$0x3FAC]  }
0x2f: {  	lr =	sadd.s32 s0, s3;
	s0 =	sld [smem:$0x3FA3]  }
0x30: {  	s3 =	sld [smem:$0x3FA6]  }
0x31: {  	[smem:$0x3FAF] =	sst s10  }
0x32: {  	s10 =	sld [smem:$0x3FAD];
	_ =	sdelay $0x3  }
0x33: {  	p0 =	seq.s32 s10, $0x1;
	s10 =	sld [smem:$0x3FAF];
	_ =	sdelay $0x3  }
0x34: {  	[smem:$0x3FAF] =	sst s10  }
0x35: {  	s10 =	sld [smem:$0x3FAE];
	_ =	sdelay $0x3  }
0x36: {  	p1 =	seq.s32 s10, $0x1;
	s10 =	sld [smem:$0x3FAF];
	_ =	sdelay $0x3  }
0x37: {  	[smem:$0x3FAF] =	sst s10  }
0x38: {  	s10 =	sld [smem:$0x3FB0]  }
0x39: {  	_ = 	snop;
	(pc) =	sbr.ind lr, $3  }
0x3a: {  	_ = 	snop  }
0x3b: {  	_ = 	snop  }
0x3c: {  	p2 =	seq.s32 s10, $0x1;
	s10 =	sld [smem:$0x3FAF]  }
0x3d: {  	_ =	shalt  }
0x3e: {  	_ =	shalt  }
0x3f: {  	_ =	shalt  }
0x40: {  	_ =	shalt  }
0x41: {  	_ =	shalt  }
0x42: {  	_ =	shalt  }
0x43: {  	_ =	shalt  }
0x44: {  	_ =	shalt  }
0x45: {  	_ =	shalt  }
0x46: {  	_ =	shalt  }
0x47: {  	_ =	shalt  }
0x48: {  	_ =	shalt  }
0x49: {  	_ =	shalt  }
0x4a: {  	_ =	shalt  }
0x4b: {  	_ =	shalt  }
0x4c: {  	_ =	shalt  }
0x4d: {  	_ =	shalt  }
0x4e: {  	_ =	shalt  }
0x4f: {  	_ =	shalt  }
0x50: {  	_ =	shalt  }
0x51: {  	_ =	shalt  }
0x52: {  	_ =	shalt  }
0x53: {  	_ =	shalt  }
0x54: {  	_ =	shalt  }
0x55: {  	_ =	shalt  }
0x56: {  	_ =	shalt  }
0x57: {  	_ =	shalt  }
0x58: {  	_ =	shalt  }
0x59: {  	_ =	shalt  }
0x5a: {  	_ =	shalt  }
0x5b: {  	_ =	shalt  }
0x5c: {  	_ =	shalt  }
0x5d: {  	_ =	shalt  }
0x5e: {  	_ =	shalt  }
0x5f: {  	_ =	shalt  }
0x60: {  	_ =	shalt  }
0x61: {  	_ =	shalt  }
0x62: {  	_ =	shalt  }
0x63: {  	_ =	shalt  }
0x64: {  	_ =	shalt  }
0x65: {  	_ =	shalt  }
0x66: {  	_ =	shalt  }
0x67: {  	_ =	shalt  }
0x68: {  	_ =	shalt  }
0x69: {  	_ =	shalt  }
0x6a: {  	_ =	shalt  }
0x6b: {  	_ =	shalt  }
0x6c: {  	_ =	shalt  }
0x6d: {  	_ =	shalt  }
0x6e: {  	_ =	shalt  }
0x6f: {  	_ =	shalt  }
0x70: {  	_ =	shalt  }
0x71: {  	_ =	shalt  }
0x72: {  	_ =	shalt  }
0x73: {  	_ =	shalt  }
0x74: {  	_ =	shalt  }
0x75: {  	_ =	shalt  }
0x76: {  	_ =	shalt  }
0x77: {  	_ =	shalt  }
0x78: {  	_ =	shalt  }
0x79: {  	_ =	shalt  }
0x7a: {  	_ =	shalt  }
0x7b: {  	_ =	shalt  }
0x7c: {  	_ =	shalt  }
0x7d: {  	_ =	shalt  }
0x7e: {  	_ =	shalt  }
0x7f: {  	_ =	shalt  }
0x80: {  	_ =	shalt  }
0x81: {  	_ =	shalt  }
0x82: {  	_ =	shalt  }
0x83: {  	_ =	shalt  }
0x84: {  	_ =	shalt  }
0x85: {  	_ =	shalt  }
0x86: {  	_ =	shalt  }
0x87: {  	_ =	shalt  }
.Lfunc_end0:
.L_simem_size_0:
called_computation_lowered:
.L_overlay_start_0:
0x88: {  	s2 =	sld [smem:$0x3FD9]  }
0x89: {  	s3 =	sld [smem:$0x3FFE];
	_ =	sdelay $0x1  }
0x8a: {  	s1 =	srdreg.scid  }
0x8b: {  	s0 =	sand.u32 $0x1, s1  }
0x8c: {  	s17 =	sshll.u32 s0, $0xA;
	s2 =	sadd.s32 s3, s2  }
0x8d: {  	s2 =	sadd.s32 s2, s17  }
0x8e: {  	[smem:$0x3FBB] =	sst s2  }
0x8f: {  	_ = 	snop  }
0x90: {  	s2 =	sld [smem:$0x3FD0];
	(tm) =	ssettm $0x1  }
0x91: {  	s18 =	sld [smem:$0x3FFB];
	_ =	sdelay $0x3  }
0x92: {  	_ =	strace s18  }
0x93: {  	s3 =	sld [smem:$0x3FFC];
	_ =	sdelay $0x3  }
0x94: {  	_ =	strace s3  }
0x95: {  	s3 =	sld [smem:$0x3FFD];
	_ =	sdelay $0x3  }
0x96: {  	_ =	strace s3  }
0x97: {  	_ =	strace $0x8FFFFFFF  }
0x98: {  	s19 =	sld [smem:$0x3FDB];
	_ =	sdelay $0x1  }
0x99: {  	s4 =	simm.s32 $_scs_section_size  }
0x9a: {  	s5 =	simm.s32 $_size__tile_overlayer_lowered;
	s6 =	simm.s32 $_tile_overlayer_lowered  }
0x9b: {  	s22 =	simm.s32 $0x1BFF;
	s21 =	sshll.u32 s6, $0x1;
	s3 =	sadd.s32 s4, s19  }
0x9c: {  	s7 =	simm.s32 $0x0;
	s20 =	sshll.u32 s5, $0x1;
	s5 =	sadd.s32 s21, s3  }
0x9d: {  	[timem:s7], [sflag:s22] =	dma.local [hbm:s5], s20  }
0x9e: {  	_ =	swait.ge [sflag:s22], s20  }
0x9f: {  	s4 =	ssub.s32 $0x0, s20;
	[sflag:s22] =	ssyncset.done $0x0  }
0xa0: {  	[sflag:s22] =	ssyncadd.s32 s4;
	_ =	sdelay $0x1  }
0xa1: {  	s23 =	simm.s32 $0x1B8B  }
0xa2: {  	_ =	swait.ge [sflag:s23], $0x1  }
0xa3: {  	[sflag:s23] =	ssyncset.done $0x0  }
0xa4: {  	s25 =	simm.s32 $0x1B8E;
	s24 =	sld [smem:$0x3FFE];
	[sflag:s23] =	ssyncadd.s32 $0xFFFFFFFF  }
0xa5: {  	s26 =	simm.s32 $execute0_lowered;
	[smem:$0x3FD2] =	sst s25  }
0xa6: {  	s5 =	sshll.u32 s26, $0x1;
	_ =	strace $0x80000046;
	[dreg:$0x1] =	wrdreg $0xFFFFFFFF  }
0xa7: {  	s28 =	simm.s32 $_size_execute0_lowered;
	s3 =	sadd.s32 s3, s5;
	[dreg:$0x0] =	wrdreg $0x0  }
0xa8: {  	s5 =	sshll.u32 s28, $0x1;
	[dreg:$0x2] =	wrdreg s3  }
0xa9: {  	[dreg:$0x3] =	wrdreg s5  }
0xaa: {  	[dreg:$0x4] =	wrdreg $0xC0  }
0xab: {  	_ =	task [dreg:s7], $0x5FFFF  }
0xac: {  	[dreg:$0x1] =	wrdreg $0xFFFFFFFF  }
0xad: {  	[dreg:$0x0] =	wrdreg $0x60  }
0xae: {  	[dreg:$0x2] =	wrdreg s24  }
0xaf: {  	[dreg:$0x3] =	wrdreg s2  }
0xb0: {  	[dreg:$0x4] =	wrdreg $0x9  }
0xb1: {  	_ =	task.clear_ibuf [dreg:s7], $0x5FFFF;
	_ =	strace $0x90000046  }
0xb2: {  	s29 =	simm.s32 $0x9;
	_ =	strace $0x80000048  }
0xb3: {  	_ =	swait.ge [sflag:s29], $0x1  }
0xb4: {  	[sflag:s29] =	ssyncadd.s32 $0xFFFFFFFF  }
0xb5: {  	_ =	strace $0x90000048  }
0xb6: {  	_ =	sfence  }
0xb7: {  	s30 =	sld [smem:$0x0];
	_ =	sdelay $0x2  }
0xb8: {  	s31 =	sshll.u32 s1, $0xD;
	s1 =	sshrl.u32 s1, $0x2  }
0xb9: {  	s3 =	sand.u32 $0x4000, s31;
	s1 =	sadd.s32 s1, s30  }
0xba: {  	s0 =	sor.u32 s3, s0;
	s1 =	sshll.u32 s1, $0x11  }
0xbb: {  	s0 =	sor.u32 s1, s0  }
0xbc: {  	s0 =	sadd.s32 $0x8F2B, s0  }
0xbd: {  	[sflag:s0] =	ssyncadd.remote.s32 $0x1  }
0xbe: {  	_ =	sfence.sel $0xFFFF  }
0xbf: {  	[dreg:$0x0] =	wrdreg $0xFFFFFFFF;
	(pc) =	sbr.abs _section_cstart, $3  }
0xc0: {  	[dreg:$0x1] =	wrdreg $0xFFFFFFFF  }
0xc1: {  	_ =	task.clear_ibuf [dreg:s7], $0x2FFFF;
	_ =	strace $0x9FFFFFFF  }
0xc2: {  	(tm) =	ssettm $0x7FFFFFFF  }
0xc3: {  	_ =	shalt  }
tec
execute0_lowered:
.L_overlay_start_1:
0x0: {  	(tag) =	ssettag $0x1  }
0x1: {  	s0 =	rddreg [dreg:$0x0]  }
0x2: {  	s8 =	rddreg [dreg:$0x1]  }
0x3: {  	s2 =	simm.s32 $0x0;
	s3 =	srdreg.scid;
	s1 =	stileid.u32  }
0x4: {  	s12 =	simm.s32 $0x200;
	s13 =	simm.s32 $0x400;
	s14 =	simm.s32 $0x600  }
0x5: {  	s15 =	simm.s32 $0x800;
	s16 =	simm.s32 $0x80;
	s17 =	simm.s32 $0x880  }
0x6: {  	s18 =	simm.s32 $0xC880;
	s19 =	simm.s32 $0x4880;
	s20 =	simm.s32 $0x280  }
0x7: {  	s21 =	simm.s32 $0x10880;
	s22 =	simm.s32 $0x100;
	s23 =	simm.s32 $0x8880  }
0x8: {  	s24 =	simm.s32 $0x300;
	s28 =	simm.s32 $0x180;
	s29 =	simm.s32 $0x380  }
0x9: {  	s30 =	simm.s32 $0x2;
	s31 =	simm.s32 $0x3;
	[smem:$0x7FF] =	sst s2  }
0xa: {  	s5 =	sand.u32 $0x1, s3;
	s3 =	sadd.s32 $0x21000, s0;
	s9 =	sshll.u32 s1, $0x7  }
0xb: {  	s4 =	sadd.s32 $0x2600, s0;
	s10 =	sshll.u32 s5, $0x6;
	s5 =	ssub.s32 $0x2, s5  }
0xc: {  	v0 =	vlaneseq.u32;
	_ =	strace $0x80000047;
	s6 =	sor.u32 s10, s9;
	s25 =	sshrl.u32 s5, $0x1  }
0xd: {  	v0 =	vmul.u32 $0x80, v0;
	s10 =	sadd.s32 s8, s10;
	s11 =	sadd.s32 s6, s0;
	s0 =	sadd.s32 $0x400, s0  }
0xe: {  	s26 =	ssub.s32 s5, s25;
	s9 =	sadd.s32 s9, s10;
	s25 =	simm.s32 $0x14880  }
0xf: {  	v1 =	vor.u32 $0x800, v0;
	[dreg:$0x3] =	wrdreg s0;
	s5 =	sadd.s32 $0xE00, s11;
	s6 =	sadd.s32 $0x1600, s11  }
0x10: {  	v2 =	vor.u32 $0x1000, v0;
	v3 =	vor.u32 $0x1800, v0;
	v4 =	vor.u32 $0x2000, v0;
	s7 =	sadd.s32 $0x1E00, s11;
	s8 =	sadd.s32 $0x600, s11;
	s10 =	smax.u32 s26, $0x1  }
0x11: {  	v5 =	vor.u32 $0x2800, v0;
	v6 =	vor.u32 $0x3000, v0;
	v7 =	vor.u32 $0x3800, v0;
	s11 =	simm.s32 $0x4;
	s26 =	simm.s32 $0x1;
	s0 =	simm.s32 $0x18880  }
.LBB2_1:
0x12: {  	[tilespmem:s2], [sflag:$0x4] =	stream.linear.gather [hbm4b:s5+s2], $0x200, $0x38;
	[tilespmem:$0x18A80] =	vst v63  }
0x13: {  	_ =	swait.ge [sflag:s11], $0x200  }
0x14: {  	[sflag:s11] =	ssyncset.done $0x0  }
0x15: {  	[sflag:s11] =	ssyncadd.s32 $0xFFFFFE00  }
0x16: {  	[tilespmem:s12], [sflag:$0x4] =	stream.linear.gather [hbm4b:s6+s2], $0x200, $0x38;
	[tilespmem:$0x18A80] =	vst v63  }
0x17: {  	_ =	swait.ge [sflag:s11], $0x200  }
0x18: {  	[sflag:s11] =	ssyncset.done $0x0  }
0x19: {  	[sflag:s11] =	ssyncadd.s32 $0xFFFFFE00  }
0x1a: {  	[tilespmem:s13], [sflag:$0x4] =	stream.linear.gather [hbm4b:s7+s2], $0x200, $0x38;
	[tilespmem:$0x18A80] =	vst v63  }
0x1b: {  	_ =	swait.ge [sflag:s11], $0x200  }
0x1c: {  	[sflag:s11] =	ssyncset.done $0x0  }
0x1d: {  	[sflag:s11] =	ssyncadd.s32 $0xFFFFFE00  }
0x1e: {  	[tilespmem:s14], [sflag:$0x4] =	stream.linear.gather [hbm4b:s8+s2], $0x200, $0x38;
	[tilespmem:$0x18A80] =	vst v63  }
0x1f: {  	_ =	swait.ge [sflag:s11], $0x200  }
0x20: {  	[sflag:s11] =	ssyncset.done $0x0  }
0x21: {  	s1 =	rddreg [dreg:$0x3];
	[sflag:s11] =	ssyncadd.s32 $0xFFFFFE00  }
0x22: {  	[tilespmem:s15], [sflag:$0x4] =	stream.linear.gather [hbm4b:s1+s2], $0x80, $0x38;
	[tilespmem:$0x18A80] =	vst v63  }
0x23: {  	_ =	swait.ge [sflag:s11], $0x80  }
0x24: {  	[sflag:s11] =	ssyncset.done $0x0  }
0x25: {  	[sflag:s11] =	ssyncadd.s32 $0xFFFFFF80  }
0x26: {  	v8 =	vld [tilespmem:$0x800];
	[tilespmem:s17], [sflag:$0x1] =	stream.indirect.gather [hbm4b:s3+s16], $0x80, s2, s16, $0xb8  }
0x27: {  	_ = 	snop  }
0x28: {  	[tilespmem:s18], [sflag:$0x1] =	stream.indirect.gather [hbm4b:s4+s16], $0x80, s12, s16, $0xb8;
	[tilespmem:$0x18A80] =	vst v63  }
0x29: {  	_ = 	snop  }
0x2a: {  	[tilespmem:s19], [sflag:$0x2] =	stream.indirect.gather [hbm4b:s3+s16], $0x80, s16, s16, $0xb8;
	[tilespmem:$0x18A80] =	vst v63  }
0x2b: {  	_ = 	snop  }
0x2c: {  	[tilespmem:s21], [sflag:$0x2] =	stream.indirect.gather [hbm4b:s4+s16], $0x80, s20, s16, $0xb8;
	[tilespmem:$0x18A80] =	vst v63  }
0x2d: {  	_ = 	snop  }
0x2e: {  	[tilespmem:s23], [sflag:$0x3] =	stream.indirect.gather [hbm4b:s3+s16], $0x80, s22, s16, $0xb8;
	[tilespmem:$0x18A80] =	vst v63  }
0x2f: {  	_ = 	snop  }
0x30: {  	[tilespmem:s25], [sflag:$0x3] =	stream.indirect.gather [hbm4b:s4+s16], $0x80, s24, s16, $0xb8;
	[tilespmem:$0x18A80] =	vst v63  }
0x31: {  	_ =	swait.ge [sflag:s26], $0x4000  }
0x32: {  	[sflag:s26] =	ssyncset.done $0x0  }
0x33: {  	[sflag:s26] =	ssyncadd.s32 $0xFFFFC000  }
0x34: {  	_ =	swait.ge [sflag:s26], $0x4000  }
0x35: {  	[sflag:s26] =	ssyncset.done $0x0  }
0x36: {  	[sflag:s26] =	ssyncadd.s32 $0xFFFFC000  }
0x37: {  	v9 =	vld [tilespmem:$0x400]  }
0x38: {  	v10 =	vld [tilespmem:$0x600];
	_ =	sdelay $0x3  }
0x39: {  	v9 =	vadd.s32 v0, v9  }
0x3a: {  	v10 =	vadd.s32 v0, v10;
	_ =	sdelay $0x3  }
0x3b: {  	v9 =	vld.idx.msk [tilespmem:v9+s17+$0x0], $0xffff  }
0x3c: {  	v10 =	vld.idx.msk [tilespmem:v10+s18+$0x0], $0xffff;
	_ =	sdelay $0x4  }
0x3d: {  	v9 =	vadd.f32 v10, v9;
	_ =	sdelay $0x1  }
0x3e: {  	v9 =	vadd.f32 v9, v8;
	_ =	sdelay $0x1  }
0x3f: {  	v9 =	vsub.f32 $0.0e+00, v9;
	_ =	sdelay $0x1  }
0x40: {  	v9 =	vmul.f32 $1.442695020e+00, v9;
	_ =	sdelay $0x1  }
0x41: {  	(erf) = vpow2.f32 v9;
	_ =	sdelay $0x8  }
0x42: {  	v9 =	vpop (erf)  }
0x43: {  	v9 =	vadd.f32 $1.000000000e+00, v9;
	_ =	sdelay $0x1  }
0x44: {  	(erf) = vrcp.f32 v9  }
0x45: {  	v27 =	vld [tilespmem:$0x410]  }
0x46: {  	v28 =	vld [tilespmem:$0x610];
	_ =	sdelay $0x3  }
0x47: {  	v9 =	vadd.s32 v1, v27  }
0x48: {  	v10 =	vadd.s32 v1, v28;
	_ =	sdelay $0x1  }
0x49: {  	v11 =	vpop (erf)  }
0x4a: {  	[tilespmem:$0x18880] =	vst v11  }
0x4b: {  	v9 =	vld.idx.msk [tilespmem:v9+s17+$0x0], $0xffff  }
0x4c: {  	v10 =	vld.idx.msk [tilespmem:v10+s18+$0x0], $0xffff;
	_ =	sdelay $0x4  }
0x4d: {  	v9 =	vadd.f32 v10, v9;
	_ =	sdelay $0x1  }
0x4e: {  	v9 =	vadd.f32 v9, v8;
	_ =	sdelay $0x1  }
0x4f: {  	v9 =	vsub.f32 $0.0e+00, v9;
	_ =	sdelay $0x1  }
0x50: {  	v9 =	vmul.f32 $1.442695020e+00, v9;
	_ =	sdelay $0x1  }
0x51: {  	(erf) = vpow2.f32 v9;
	_ =	sdelay $0x8  }
0x52: {  	v9 =	vpop (erf)  }
0x53: {  	v9 =	vadd.f32 $1.000000000e+00, v9;
	_ =	sdelay $0x1  }
0x54: {  	(erf) = vrcp.f32 v9  }
0x55: {  	v29 =	vld [tilespmem:$0x420]  }
0x56: {  	v30 =	vld [tilespmem:$0x620];
	_ =	sdelay $0x3  }
0x57: {  	v9 =	vadd.s32 v2, v29  }
0x58: {  	v10 =	vadd.s32 v2, v30;
	_ =	sdelay $0x1  }
0x59: {  	v31 =	vpop (erf)  }
0x5a: {  	[tilespmem:$0x18890] =	vst v31  }
0x5b: {  	v9 =	vld.idx.msk [tilespmem:v9+s17+$0x0], $0xffff  }
0x5c: {  	v10 =	vld.idx.msk [tilespmem:v10+s18+$0x0], $0xffff;
	_ =	sdelay $0x4  }
0x5d: {  	v9 =	vadd.f32 v10, v9;
	_ =	sdelay $0x1  }
0x5e: {  	v9 =	vadd.f32 v9, v8;
	_ =	sdelay $0x1  }
0x5f: {  	v9 =	vsub.f32 $0.0e+00, v9;
	_ =	sdelay $0x1  }
0x60: {  	v9 =	vmul.f32 $1.442695020e+00, v9;
	_ =	sdelay $0x1  }
0x61: {  	(erf) = vpow2.f32 v9;
	_ =	sdelay $0x8  }
0x62: {  	v9 =	vpop (erf)  }
0x63: {  	v9 =	vadd.f32 $1.000000000e+00, v9;
	_ =	sdelay $0x1  }
0x64: {  	(erf) = vrcp.f32 v9  }
0x65: {  	v32 =	vld [tilespmem:$0x430]  }
0x66: {  	v33 =	vld [tilespmem:$0x630];
	_ =	sdelay $0x3  }
0x67: {  	v9 =	vadd.s32 v3, v32  }
0x68: {  	v10 =	vadd.s32 v3, v33;
	_ =	sdelay $0x1  }
0x69: {  	v34 =	vpop (erf)  }
0x6a: {  	[tilespmem:$0x188A0] =	vst v34  }
0x6b: {  	v9 =	vld.idx.msk [tilespmem:v9+s17+$0x0], $0xffff  }
0x6c: {  	v10 =	vld.idx.msk [tilespmem:v10+s18+$0x0], $0xffff;
	_ =	sdelay $0x4  }
0x6d: {  	v9 =	vadd.f32 v10, v9;
	_ =	sdelay $0x1  }
0x6e: {  	v9 =	vadd.f32 v9, v8;
	_ =	sdelay $0x1  }
0x6f: {  	v9 =	vsub.f32 $0.0e+00, v9;
	_ =	sdelay $0x1  }
0x70: {  	v9 =	vmul.f32 $1.442695020e+00, v9;
	_ =	sdelay $0x1  }
0x71: {  	(erf) = vpow2.f32 v9;
	_ =	sdelay $0x8  }
0x72: {  	v9 =	vpop (erf)  }
0x73: {  	v9 =	vadd.f32 $1.000000000e+00, v9;
	_ =	sdelay $0x1  }
0x74: {  	(erf) = vrcp.f32 v9  }
0x75: {  	v35 =	vld [tilespmem:$0x440]  }
0x76: {  	v36 =	vld [tilespmem:$0x640];
	_ =	sdelay $0x3  }
0x77: {  	v9 =	vadd.s32 v4, v35  }
0x78: {  	v10 =	vadd.s32 v4, v36;
	_ =	sdelay $0x1  }
0x79: {  	v37 =	vpop (erf)  }
0x7a: {  	[tilespmem:$0x188B0] =	vst v37  }
0x7b: {  	v9 =	vld.idx.msk [tilespmem:v9+s17+$0x0], $0xffff  }
0x7c: {  	v10 =	vld.idx.msk [tilespmem:v10+s18+$0x0], $0xffff;
	_ =	sdelay $0x4  }
0x7d: {  	v9 =	vadd.f32 v10, v9;
	_ =	sdelay $0x1  }
0x7e: {  	v9 =	vadd.f32 v9, v8;
	_ =	sdelay $0x1  }
0x7f: {  	v9 =	vsub.f32 $0.0e+00, v9;
	_ =	sdelay $0x1  }
0x80: {  	v9 =	vmul.f32 $1.442695020e+00, v9;
	_ =	sdelay $0x1  }
0x81: {  	(erf) = vpow2.f32 v9;
	_ =	sdelay $0x8  }
0x82: {  	v9 =	vpop (erf)  }
0x83: {  	v9 =	vadd.f32 $1.000000000e+00, v9;
	_ =	sdelay $0x1  }
0x84: {  	(erf) = vrcp.f32 v9  }
0x85: {  	v38 =	vld [tilespmem:$0x450]  }
0x86: {  	v39 =	vld [tilespmem:$0x650];
	_ =	sdelay $0x3  }
0x87: {  	v9 =	vadd.s32 v5, v38  }
0x88: {  	v10 =	vadd.s32 v5, v39;
	_ =	sdelay $0x1  }
0x89: {  	v40 =	vpop (erf)  }
0x8a: {  	[tilespmem:$0x188C0] =	vst v40  }
0x8b: {  	v9 =	vld.idx.msk [tilespmem:v9+s17+$0x0], $0xffff  }
0x8c: {  	v10 =	vld.idx.msk [tilespmem:v10+s18+$0x0], $0xffff;
	_ =	sdelay $0x4  }
0x8d: {  	v9 =	vadd.f32 v10, v9;
	_ =	sdelay $0x1  }
0x8e: {  	v9 =	vadd.f32 v9, v8;
	_ =	sdelay $0x1  }
0x8f: {  	v9 =	vsub.f32 $0.0e+00, v9;
	_ =	sdelay $0x1  }
0x90: {  	v9 =	vmul.f32 $1.442695020e+00, v9;
	_ =	sdelay $0x1  }
0x91: {  	(erf) = vpow2.f32 v9;
	_ =	sdelay $0x8  }
0x92: {  	v9 =	vpop (erf)  }
0x93: {  	v9 =	vadd.f32 $1.000000000e+00, v9;
	_ =	sdelay $0x1  }
0x94: {  	(erf) = vrcp.f32 v9  }
0x95: {  	v41 =	vld [tilespmem:$0x460]  }
0x96: {  	v42 =	vld [tilespmem:$0x660];
	_ =	sdelay $0x3  }
0x97: {  	v9 =	vadd.s32 v6, v41  }
0x98: {  	v10 =	vadd.s32 v6, v42;
	_ =	sdelay $0x1  }
0x99: {  	v43 =	vpop (erf)  }
0x9a: {  	[tilespmem:$0x188D0] =	vst v43  }
0x9b: {  	v9 =	vld.idx.msk [tilespmem:v9+s17+$0x0], $0xffff  }
0x9c: {  	v10 =	vld.idx.msk [tilespmem:v10+s18+$0x0], $0xffff;
	_ =	sdelay $0x4  }
0x9d: {  	v9 =	vadd.f32 v10, v9;
	_ =	sdelay $0x1  }
0x9e: {  	v9 =	vadd.f32 v9, v8;
	_ =	sdelay $0x1  }
0x9f: {  	v9 =	vsub.f32 $0.0e+00, v9;
	_ =	sdelay $0x1  }
0xa0: {  	v9 =	vmul.f32 $1.442695020e+00, v9;
	_ =	sdelay $0x1  }
0xa1: {  	(erf) = vpow2.f32 v9;
	_ =	sdelay $0x8  }
0xa2: {  	v9 =	vpop (erf)  }
0xa3: {  	v9 =	vadd.f32 $1.000000000e+00, v9;
	_ =	sdelay $0x1  }
0xa4: {  	(erf) = vrcp.f32 v9  }
0xa5: {  	v44 =	vld [tilespmem:$0x470]  }
0xa6: {  	v45 =	vld [tilespmem:$0x670];
	_ =	sdelay $0x3  }
0xa7: {  	v9 =	vadd.s32 v7, v44  }
0xa8: {  	v10 =	vadd.s32 v7, v45;
	_ =	sdelay $0x1  }
0xa9: {  	v46 =	vpop (erf)  }
0xaa: {  	[tilespmem:$0x188E0] =	vst v46  }
0xab: {  	v9 =	vld.idx.msk [tilespmem:v9+s17+$0x0], $0xffff  }
0xac: {  	v10 =	vld.idx.msk [tilespmem:v10+s18+$0x0], $0xffff;
	_ =	sdelay $0x4  }
0xad: {  	v9 =	vadd.f32 v10, v9;
	_ =	sdelay $0x1  }
0xae: {  	v9 =	vadd.f32 v9, v8;
	_ =	sdelay $0x1  }
0xaf: {  	v9 =	vsub.f32 $0.0e+00, v9;
	_ =	sdelay $0x1  }
0xb0: {  	v9 =	vmul.f32 $1.442695020e+00, v9;
	_ =	sdelay $0x1  }
0xb1: {  	(erf) = vpow2.f32 v9;
	_ =	sdelay $0x8  }
0xb2: {  	v9 =	vpop (erf)  }
0xb3: {  	v9 =	vadd.f32 $1.000000000e+00, v9;
	_ =	sdelay $0x1  }
0xb4: {  	(erf) = vrcp.f32 v9;
	_ =	sdelay $0x8  }
0xb5: {  	v9 =	vpop (erf)  }
0xb6: {  	[tilespmem:$0x188F0] =	vst v9  }
0xb7: {  	[tilespmem:s17], [sflag:$0x1] =	stream.indirect.gather [hbm4b:s3+s16], $0x80, s28, s16, $0xb8;
	[tilespmem:$0x18A80] =	vst v63  }
0xb8: {  	_ = 	snop  }
0xb9: {  	[tilespmem:s18], [sflag:$0x1] =	stream.indirect.gather [hbm4b:s4+s16], $0x80, s29, s16, $0xb8;
	[tilespmem:$0x18A80] =	vst v63  }
0xba: {  	_ =	swait.ge [sflag:s30], $0x4000  }
0xbb: {  	[sflag:s30] =	ssyncset.done $0x0  }
0xbc: {  	[sflag:s30] =	ssyncadd.s32 $0xFFFFC000  }
0xbd: {  	_ =	swait.ge [sflag:s30], $0x4000  }
0xbe: {  	[sflag:s30] =	ssyncset.done $0x0  }
0xbf: {  	[sflag:s30] =	ssyncadd.s32 $0xFFFFC000  }
0xc0: {  	v47 =	vld [tilespmem:$0x480]  }
0xc1: {  	v48 =	vld [tilespmem:$0x680];
	_ =	sdelay $0x3  }
0xc2: {  	v9 =	vadd.s32 v0, v47  }
0xc3: {  	v10 =	vadd.s32 v0, v48;
	_ =	sdelay $0x3  }
0xc4: {  	v9 =	vld.idx.msk [tilespmem:v9+s19+$0x0], $0xffff  }
0xc5: {  	v10 =	vld.idx.msk [tilespmem:v10+s21+$0x0], $0xffff;
	_ =	sdelay $0x4  }
0xc6: {  	v9 =	vadd.f32 v10, v9;
	_ =	sdelay $0x1  }
0xc7: {  	v9 =	vadd.f32 v9, v8;
	_ =	sdelay $0x1  }
0xc8: {  	v9 =	vsub.f32 $0.0e+00, v9;
	_ =	sdelay $0x1  }
0xc9: {  	v9 =	vmul.f32 $1.442695020e+00, v9;
	_ =	sdelay $0x1  }
0xca: {  	(erf) = vpow2.f32 v9;
	_ =	sdelay $0x8  }
0xcb: {  	v9 =	vpop (erf)  }
0xcc: {  	v9 =	vadd.f32 $1.000000000e+00, v9;
	_ =	sdelay $0x1  }
0xcd: {  	(erf) = vrcp.f32 v9  }
0xce: {  	v49 =	vld [tilespmem:$0x490]  }
0xcf: {  	v50 =	vld [tilespmem:$0x690];
	_ =	sdelay $0x3  }
0xd0: {  	v9 =	vadd.s32 v1, v49  }
0xd1: {  	v10 =	vadd.s32 v1, v50;
	_ =	sdelay $0x1  }
0xd2: {  	v51 =	vpop (erf)  }
0xd3: {  	[tilespmem:$0x18900] =	vst v51  }
0xd4: {  	v9 =	vld.idx.msk [tilespmem:v9+s19+$0x0], $0xffff  }
0xd5: {  	v10 =	vld.idx.msk [tilespmem:v10+s21+$0x0], $0xffff;
	_ =	sdelay $0x4  }
0xd6: {  	v9 =	vadd.f32 v10, v9;
	_ =	sdelay $0x1  }
0xd7: {  	v9 =	vadd.f32 v9, v8;
	_ =	sdelay $0x1  }
0xd8: {  	v9 =	vsub.f32 $0.0e+00, v9;
	_ =	sdelay $0x1  }
0xd9: {  	v9 =	vmul.f32 $1.442695020e+00, v9;
	_ =	sdelay $0x1  }
0xda: {  	(erf) = vpow2.f32 v9;
	_ =	sdelay $0x8  }
0xdb: {  	v9 =	vpop (erf)  }
0xdc: {  	v9 =	vadd.f32 $1.000000000e+00, v9;
	_ =	sdelay $0x1  }
0xdd: {  	(erf) = vrcp.f32 v9  }
0xde: {  	v52 =	vld [tilespmem:$0x4A0]  }
0xdf: {  	v53 =	vld [tilespmem:$0x6A0];
	_ =	sdelay $0x3  }
0xe0: {  	v9 =	vadd.s32 v2, v52  }
0xe1: {  	v10 =	vadd.s32 v2, v53;
	_ =	sdelay $0x1  }
0xe2: {  	v54 =	vpop (erf)  }
0xe3: {  	[tilespmem:$0x18910] =	vst v54  }
0xe4: {  	v9 =	vld.idx.msk [tilespmem:v9+s19+$0x0], $0xffff  }
0xe5: {  	v10 =	vld.idx.msk [tilespmem:v10+s21+$0x0], $0xffff;
	_ =	sdelay $0x4  }
0xe6: {  	v9 =	vadd.f32 v10, v9;
	_ =	sdelay $0x1  }
0xe7: {  	v9 =	vadd.f32 v9, v8;
	_ =	sdelay $0x1  }
0xe8: {  	v9 =	vsub.f32 $0.0e+00, v9;
	_ =	sdelay $0x1  }
0xe9: {  	v9 =	vmul.f32 $1.442695020e+00, v9;
	_ =	sdelay $0x1  }
0xea: {  	(erf) = vpow2.f32 v9;
	_ =	sdelay $0x8  }
0xeb: {  	v9 =	vpop (erf)  }
0xec: {  	v9 =	vadd.f32 $1.000000000e+00, v9;
	_ =	sdelay $0x1  }
0xed: {  	(erf) = vrcp.f32 v9  }
0xee: {  	v55 =	vld [tilespmem:$0x4B0]  }
0xef: {  	v56 =	vld [tilespmem:$0x6B0];
	_ =	sdelay $0x3  }
0xf0: {  	v9 =	vadd.s32 v3, v55  }
0xf1: {  	v10 =	vadd.s32 v3, v56;
	_ =	sdelay $0x1  }
0xf2: {  	v57 =	vpop (erf)  }
0xf3: {  	[tilespmem:$0x18920] =	vst v57  }
0xf4: {  	v9 =	vld.idx.msk [tilespmem:v9+s19+$0x0], $0xffff  }
0xf5: {  	v10 =	vld.idx.msk [tilespmem:v10+s21+$0x0], $0xffff;
	_ =	sdelay $0x4  }
0xf6: {  	v9 =	vadd.f32 v10, v9;
	_ =	sdelay $0x1  }
0xf7: {  	v9 =	vadd.f32 v9, v8;
	_ =	sdelay $0x1  }
0xf8: {  	v9 =	vsub.f32 $0.0e+00, v9;
	_ =	sdelay $0x1  }
0xf9: {  	v9 =	vmul.f32 $1.442695020e+00, v9;
	_ =	sdelay $0x1  }
0xfa: {  	(erf) = vpow2.f32 v9;
	_ =	sdelay $0x8  }
0xfb: {  	v9 =	vpop (erf)  }
0xfc: {  	v9 =	vadd.f32 $1.000000000e+00, v9;
	_ =	sdelay $0x1  }
0xfd: {  	(erf) = vrcp.f32 v9  }
0xfe: {  	v58 =	vld [tilespmem:$0x4C0]  }
0xff: {  	v59 =	vld [tilespmem:$0x6C0];
	_ =	sdelay $0x3  }
0x100: {  	v9 =	vadd.s32 v4, v58  }
0x101: {  	v10 =	vadd.s32 v4, v59;
	_ =	sdelay $0x1  }
0x102: {  	v60 =	vpop (erf)  }
0x103: {  	[tilespmem:$0x18930] =	vst v60  }
0x104: {  	v9 =	vld.idx.msk [tilespmem:v9+s19+$0x0], $0xffff  }
0x105: {  	v10 =	vld.idx.msk [tilespmem:v10+s21+$0x0], $0xffff;
	_ =	sdelay $0x4  }
0x106: {  	v9 =	vadd.f32 v10, v9;
	_ =	sdelay $0x1  }
0x107: {  	v9 =	vadd.f32 v9, v8;
	_ =	sdelay $0x1  }
0x108: {  	v9 =	vsub.f32 $0.0e+00, v9;
	_ =	sdelay $0x1  }
0x109: {  	v9 =	vmul.f32 $1.442695020e+00, v9;
	_ =	sdelay $0x1  }
0x10a: {  	(erf) = vpow2.f32 v9;
	_ =	sdelay $0x8  }
0x10b: {  	v9 =	vpop (erf)  }
0x10c: {  	v9 =	vadd.f32 $1.000000000e+00, v9;
	_ =	sdelay $0x1  }
0x10d: {  	(erf) = vrcp.f32 v9  }
0x10e: {  	v61 =	vld [tilespmem:$0x4D0]  }
0x10f: {  	v62 =	vld [tilespmem:$0x6D0];
	_ =	sdelay $0x3  }
0x110: {  	v9 =	vadd.s32 v5, v61  }
0x111: {  	v10 =	vadd.s32 v5, v62;
	_ =	sdelay $0x1  }
0x112: {  	v63 =	vpop (erf)  }
0x113: {  	[tilespmem:$0x18940] =	vst v63  }
0x114: {  	v9 =	vld.idx.msk [tilespmem:v9+s19+$0x0], $0xffff  }
0x115: {  	v10 =	vld.idx.msk [tilespmem:v10+s21+$0x0], $0xffff;
	_ =	sdelay $0x4  }
0x116: {  	v9 =	vadd.f32 v10, v9;
	_ =	sdelay $0x1  }
0x117: {  	v9 =	vadd.f32 v9, v8;
	_ =	sdelay $0x1  }
0x118: {  	v9 =	vsub.f32 $0.0e+00, v9;
	_ =	sdelay $0x1  }
0x119: {  	v9 =	vmul.f32 $1.442695020e+00, v9;
	_ =	sdelay $0x1  }
0x11a: {  	(erf) = vpow2.f32 v9;
	_ =	sdelay $0x8  }
0x11b: {  	v9 =	vpop (erf)  }
0x11c: {  	v9 =	vadd.f32 $1.000000000e+00, v9;
	_ =	sdelay $0x1  }
0x11d: {  	(erf) = vrcp.f32 v9  }
0x11e: {  	v12 =	vld [tilespmem:$0x4E0]  }
0x11f: {  	v13 =	vld [tilespmem:$0x6E0];
	_ =	sdelay $0x3  }
0x120: {  	v9 =	vadd.s32 v6, v12  }
0x121: {  	v10 =	vadd.s32 v6, v13;
	_ =	sdelay $0x1  }
0x122: {  	v14 =	vpop (erf)  }
0x123: {  	[tilespmem:$0x18950] =	vst v14  }
0x124: {  	v9 =	vld.idx.msk [tilespmem:v9+s19+$0x0], $0xffff  }
0x125: {  	v10 =	vld.idx.msk [tilespmem:v10+s21+$0x0], $0xffff;
	_ =	sdelay $0x4  }
0x126: {  	v9 =	vadd.f32 v10, v9;
	_ =	sdelay $0x1  }
0x127: {  	v9 =	vadd.f32 v9, v8;
	_ =	sdelay $0x1  }
0x128: {  	v9 =	vsub.f32 $0.0e+00, v9;
	_ =	sdelay $0x1  }
0x129: {  	v9 =	vmul.f32 $1.442695020e+00, v9;
	_ =	sdelay $0x1  }
0x12a: {  	(erf) = vpow2.f32 v9;
	_ =	sdelay $0x8  }
0x12b: {  	v9 =	vpop (erf)  }
0x12c: {  	v9 =	vadd.f32 $1.000000000e+00, v9;
	_ =	sdelay $0x1  }
0x12d: {  	(erf) = vrcp.f32 v9  }
0x12e: {  	v15 =	vld [tilespmem:$0x4F0]  }
0x12f: {  	v16 =	vld [tilespmem:$0x6F0];
	_ =	sdelay $0x3  }
0x130: {  	v9 =	vadd.s32 v7, v15  }
0x131: {  	v10 =	vadd.s32 v7, v16;
	_ =	sdelay $0x1  }
0x132: {  	v17 =	vpop (erf)  }
0x133: {  	[tilespmem:$0x18960] =	vst v17  }
0x134: {  	v9 =	vld.idx.msk [tilespmem:v9+s19+$0x0], $0xffff  }
0x135: {  	v10 =	vld.idx.msk [tilespmem:v10+s21+$0x0], $0xffff;
	_ =	sdelay $0x4  }
0x136: {  	v9 =	vadd.f32 v10, v9;
	_ =	sdelay $0x1  }
0x137: {  	v9 =	vadd.f32 v9, v8;
	_ =	sdelay $0x1  }
0x138: {  	v9 =	vsub.f32 $0.0e+00, v9;
	_ =	sdelay $0x1  }
0x139: {  	v9 =	vmul.f32 $1.442695020e+00, v9;
	_ =	sdelay $0x1  }
0x13a: {  	(erf) = vpow2.f32 v9;
	_ =	sdelay $0x8  }
0x13b: {  	v9 =	vpop (erf)  }
0x13c: {  	v9 =	vadd.f32 $1.000000000e+00, v9;
	_ =	sdelay $0x1  }
0x13d: {  	(erf) = vrcp.f32 v9;
	_ =	sdelay $0x8  }
0x13e: {  	v9 =	vpop (erf)  }
0x13f: {  	[tilespmem:$0x18970] =	vst v9  }
0x140: {  	_ =	swait.ge [sflag:s31], $0x4000  }
0x141: {  	[sflag:s31] =	ssyncset.done $0x0  }
0x142: {  	[sflag:s31] =	ssyncadd.s32 $0xFFFFC000  }
0x143: {  	_ =	swait.ge [sflag:s31], $0x4000  }
0x144: {  	[sflag:s31] =	ssyncset.done $0x0  }
0x145: {  	[sflag:s31] =	ssyncadd.s32 $0xFFFFC000  }
0x146: {  	v18 =	vld [tilespmem:$0x500]  }
0x147: {  	v19 =	vld [tilespmem:$0x700];
	_ =	sdelay $0x3  }
0x148: {  	v9 =	vadd.s32 v0, v18  }
0x149: {  	v10 =	vadd.s32 v0, v19;
	_ =	sdelay $0x3  }
0x14a: {  	v9 =	vld.idx.msk [tilespmem:v9+s23+$0x0], $0xffff  }
0x14b: {  	v10 =	vld.idx.msk [tilespmem:v10+s25+$0x0], $0xffff;
	_ =	sdelay $0x4  }
0x14c: {  	v9 =	vadd.f32 v10, v9;
	_ =	sdelay $0x1  }
0x14d: {  	v9 =	vadd.f32 v9, v8;
	_ =	sdelay $0x1  }
0x14e: {  	v9 =	vsub.f32 $0.0e+00, v9;
	_ =	sdelay $0x1  }
0x14f: {  	v9 =	vmul.f32 $1.442695020e+00, v9;
	_ =	sdelay $0x1  }
0x150: {  	(erf) = vpow2.f32 v9;
	_ =	sdelay $0x8  }
0x151: {  	v9 =	vpop (erf)  }
0x152: {  	v9 =	vadd.f32 $1.000000000e+00, v9;
	_ =	sdelay $0x1  }
0x153: {  	(erf) = vrcp.f32 v9  }
0x154: {  	v20 =	vld [tilespmem:$0x510]  }
0x155: {  	v21 =	vld [tilespmem:$0x710];
	_ =	sdelay $0x3  }
0x156: {  	v9 =	vadd.s32 v1, v20  }
0x157: {  	v10 =	vadd.s32 v1, v21;
	_ =	sdelay $0x1  }
0x158: {  	v22 =	vpop (erf)  }
0x159: {  	[tilespmem:$0x18980] =	vst v22  }
0x15a: {  	v9 =	vld.idx.msk [tilespmem:v9+s23+$0x0], $0xffff  }
0x15b: {  	v10 =	vld.idx.msk [tilespmem:v10+s25+$0x0], $0xffff;
	_ =	sdelay $0x4  }
0x15c: {  	v9 =	vadd.f32 v10, v9;
	_ =	sdelay $0x1  }
0x15d: {  	v9 =	vadd.f32 v9, v8;
	_ =	sdelay $0x1  }
0x15e: {  	v9 =	vsub.f32 $0.0e+00, v9;
	_ =	sdelay $0x1  }
0x15f: {  	v9 =	vmul.f32 $1.442695020e+00, v9;
	_ =	sdelay $0x1  }
0x160: {  	(erf) = vpow2.f32 v9;
	_ =	sdelay $0x8  }
0x161: {  	v9 =	vpop (erf)  }
0x162: {  	v9 =	vadd.f32 $1.000000000e+00, v9;
	_ =	sdelay $0x1  }
0x163: {  	(erf) = vrcp.f32 v9  }
0x164: {  	v23 =	vld [tilespmem:$0x520]  }
0x165: {  	v24 =	vld [tilespmem:$0x720];
	_ =	sdelay $0x3  }
0x166: {  	v9 =	vadd.s32 v2, v23  }
0x167: {  	v10 =	vadd.s32 v2, v24;
	_ =	sdelay $0x1  }
0x168: {  	v25 =	vpop (erf)  }
0x169: {  	[tilespmem:$0x18990] =	vst v25  }
0x16a: {  	v9 =	vld.idx.msk [tilespmem:v9+s23+$0x0], $0xffff  }
0x16b: {  	v10 =	vld.idx.msk [tilespmem:v10+s25+$0x0], $0xffff;
	_ =	sdelay $0x4  }
0x16c: {  	v9 =	vadd.f32 v10, v9;
	_ =	sdelay $0x1  }
0x16d: {  	v9 =	vadd.f32 v9, v8;
	_ =	sdelay $0x1  }
0x16e: {  	v9 =	vsub.f32 $0.0e+00, v9;
	_ =	sdelay $0x1  }
0x16f: {  	v9 =	vmul.f32 $1.442695020e+00, v9;
	_ =	sdelay $0x1  }
0x170: {  	(erf) = vpow2.f32 v9;
	_ =	sdelay $0x8  }
0x171: {  	v9 =	vpop (erf)  }
0x172: {  	v9 =	vadd.f32 $1.000000000e+00, v9;
	_ =	sdelay $0x1  }
0x173: {  	(erf) = vrcp.f32 v9  }
0x174: {  	v26 =	vld [tilespmem:$0x530]  }
0x175: {  	v27 =	vld [tilespmem:$0x730];
	_ =	sdelay $0x3  }
0x176: {  	v9 =	vadd.s32 v3, v26  }
0x177: {  	v10 =	vadd.s32 v3, v27;
	_ =	sdelay $0x1  }
0x178: {  	v28 =	vpop (erf)  }
0x179: {  	[tilespmem:$0x189A0] =	vst v28  }
0x17a: {  	v9 =	vld.idx.msk [tilespmem:v9+s23+$0x0], $0xffff  }
0x17b: {  	v10 =	vld.idx.msk [tilespmem:v10+s25+$0x0], $0xffff;
	_ =	sdelay $0x4  }
0x17c: {  	v9 =	vadd.f32 v10, v9;
	_ =	sdelay $0x1  }
0x17d: {  	v9 =	vadd.f32 v9, v8;
	_ =	sdelay $0x1  }
0x17e: {  	v9 =	vsub.f32 $0.0e+00, v9;
	_ =	sdelay $0x1  }
0x17f: {  	v9 =	vmul.f32 $1.442695020e+00, v9;
	_ =	sdelay $0x1  }
0x180: {  	(erf) = vpow2.f32 v9;
	_ =	sdelay $0x8  }
0x181: {  	v9 =	vpop (erf)  }
0x182: {  	v9 =	vadd.f32 $1.000000000e+00, v9;
	_ =	sdelay $0x1  }
0x183: {  	(erf) = vrcp.f32 v9  }
0x184: {  	v29 =	vld [tilespmem:$0x540]  }
0x185: {  	v30 =	vld [tilespmem:$0x740];
	_ =	sdelay $0x3  }
0x186: {  	v9 =	vadd.s32 v4, v29  }
0x187: {  	v10 =	vadd.s32 v4, v30;
	_ =	sdelay $0x1  }
0x188: {  	v31 =	vpop (erf)  }
0x189: {  	[tilespmem:$0x189B0] =	vst v31  }
0x18a: {  	v9 =	vld.idx.msk [tilespmem:v9+s23+$0x0], $0xffff  }
0x18b: {  	v10 =	vld.idx.msk [tilespmem:v10+s25+$0x0], $0xffff;
	_ =	sdelay $0x4  }
0x18c: {  	v9 =	vadd.f32 v10, v9;
	_ =	sdelay $0x1  }
0x18d: {  	v9 =	vadd.f32 v9, v8;
	_ =	sdelay $0x1  }
0x18e: {  	v9 =	vsub.f32 $0.0e+00, v9;
	_ =	sdelay $0x1  }
0x18f: {  	v9 =	vmul.f32 $1.442695020e+00, v9;
	_ =	sdelay $0x1  }
0x190: {  	(erf) = vpow2.f32 v9;
	_ =	sdelay $0x8  }
0x191: {  	v9 =	vpop (erf)  }
0x192: {  	v9 =	vadd.f32 $1.000000000e+00, v9;
	_ =	sdelay $0x1  }
0x193: {  	(erf) = vrcp.f32 v9  }
0x194: {  	v32 =	vld [tilespmem:$0x550]  }
0x195: {  	v33 =	vld [tilespmem:$0x750];
	_ =	sdelay $0x3  }
0x196: {  	v9 =	vadd.s32 v5, v32  }
0x197: {  	v10 =	vadd.s32 v5, v33;
	_ =	sdelay $0x1  }
0x198: {  	v34 =	vpop (erf)  }
0x199: {  	[tilespmem:$0x189C0] =	vst v34  }
0x19a: {  	v9 =	vld.idx.msk [tilespmem:v9+s23+$0x0], $0xffff  }
0x19b: {  	v10 =	vld.idx.msk [tilespmem:v10+s25+$0x0], $0xffff;
	_ =	sdelay $0x4  }
0x19c: {  	v9 =	vadd.f32 v10, v9;
	_ =	sdelay $0x1  }
0x19d: {  	v9 =	vadd.f32 v9, v8;
	_ =	sdelay $0x1  }
0x19e: {  	v9 =	vsub.f32 $0.0e+00, v9;
	_ =	sdelay $0x1  }
0x19f: {  	v9 =	vmul.f32 $1.442695020e+00, v9;
	_ =	sdelay $0x1  }
0x1a0: {  	(erf) = vpow2.f32 v9;
	_ =	sdelay $0x8  }
0x1a1: {  	v9 =	vpop (erf)  }
0x1a2: {  	v9 =	vadd.f32 $1.000000000e+00, v9;
	_ =	sdelay $0x1  }
0x1a3: {  	(erf) = vrcp.f32 v9  }
0x1a4: {  	v35 =	vld [tilespmem:$0x560]  }
0x1a5: {  	v36 =	vld [tilespmem:$0x760];
	_ =	sdelay $0x3  }
0x1a6: {  	v9 =	vadd.s32 v6, v35  }
0x1a7: {  	v10 =	vadd.s32 v6, v36;
	_ =	sdelay $0x1  }
0x1a8: {  	v37 =	vpop (erf)  }
0x1a9: {  	[tilespmem:$0x189D0] =	vst v37  }
0x1aa: {  	v9 =	vld.idx.msk [tilespmem:v9+s23+$0x0], $0xffff  }
0x1ab: {  	v10 =	vld.idx.msk [tilespmem:v10+s25+$0x0], $0xffff;
	_ =	sdelay $0x4  }
0x1ac: {  	v9 =	vadd.f32 v10, v9;
	_ =	sdelay $0x1  }
0x1ad: {  	v9 =	vadd.f32 v9, v8;
	_ =	sdelay $0x1  }
0x1ae: {  	v9 =	vsub.f32 $0.0e+00, v9;
	_ =	sdelay $0x1  }
0x1af: {  	v9 =	vmul.f32 $1.442695020e+00, v9;
	_ =	sdelay $0x1  }
0x1b0: {  	(erf) = vpow2.f32 v9;
	_ =	sdelay $0x8  }
0x1b1: {  	v9 =	vpop (erf)  }
0x1b2: {  	v9 =	vadd.f32 $1.000000000e+00, v9;
	_ =	sdelay $0x1  }
0x1b3: {  	(erf) = vrcp.f32 v9  }
0x1b4: {  	v38 =	vld [tilespmem:$0x570]  }
0x1b5: {  	v39 =	vld [tilespmem:$0x770];
	_ =	sdelay $0x3  }
0x1b6: {  	v9 =	vadd.s32 v7, v38  }
0x1b7: {  	v10 =	vadd.s32 v7, v39;
	_ =	sdelay $0x1  }
0x1b8: {  	v40 =	vpop (erf)  }
0x1b9: {  	[tilespmem:$0x189E0] =	vst v40  }
0x1ba: {  	v9 =	vld.idx.msk [tilespmem:v9+s23+$0x0], $0xffff  }
0x1bb: {  	v10 =	vld.idx.msk [tilespmem:v10+s25+$0x0], $0xffff;
	_ =	sdelay $0x4  }
0x1bc: {  	v9 =	vadd.f32 v10, v9;
	_ =	sdelay $0x1  }
0x1bd: {  	v9 =	vadd.f32 v9, v8;
	_ =	sdelay $0x1  }
0x1be: {  	v9 =	vsub.f32 $0.0e+00, v9;
	_ =	sdelay $0x1  }
0x1bf: {  	v9 =	vmul.f32 $1.442695020e+00, v9;
	_ =	sdelay $0x1  }
0x1c0: {  	(erf) = vpow2.f32 v9;
	_ =	sdelay $0x8  }
0x1c1: {  	v9 =	vpop (erf)  }
0x1c2: {  	v9 =	vadd.f32 $1.000000000e+00, v9;
	_ =	sdelay $0x1  }
0x1c3: {  	(erf) = vrcp.f32 v9;
	_ =	sdelay $0x8  }
0x1c4: {  	v9 =	vpop (erf)  }
0x1c5: {  	[tilespmem:$0x189F0] =	vst v9  }
0x1c6: {  	_ =	swait.ge [sflag:s26], $0x4000  }
0x1c7: {  	[sflag:s26] =	ssyncset.done $0x0  }
0x1c8: {  	[sflag:s26] =	ssyncadd.s32 $0xFFFFC000  }
0x1c9: {  	_ =	swait.ge [sflag:s26], $0x4000  }
0x1ca: {  	[sflag:s26] =	ssyncset.done $0x0  }
0x1cb: {  	[sflag:s26] =	ssyncadd.s32 $0xFFFFC000  }
0x1cc: {  	v41 =	vld [tilespmem:$0x580]  }
0x1cd: {  	v42 =	vld [tilespmem:$0x780];
	_ =	sdelay $0x3  }
0x1ce: {  	v9 =	vadd.s32 v0, v41  }
0x1cf: {  	v10 =	vadd.s32 v0, v42;
	_ =	sdelay $0x3  }
0x1d0: {  	v9 =	vld.idx.msk [tilespmem:v9+s17+$0x0], $0xffff  }
0x1d1: {  	v10 =	vld.idx.msk [tilespmem:v10+s18+$0x0], $0xffff;
	_ =	sdelay $0x4  }
0x1d2: {  	v9 =	vadd.f32 v10, v9;
	_ =	sdelay $0x1  }
0x1d3: {  	v9 =	vadd.f32 v9, v8;
	_ =	sdelay $0x1  }
0x1d4: {  	v9 =	vsub.f32 $0.0e+00, v9;
	_ =	sdelay $0x1  }
0x1d5: {  	v9 =	vmul.f32 $1.442695020e+00, v9;
	_ =	sdelay $0x1  }
0x1d6: {  	(erf) = vpow2.f32 v9;
	_ =	sdelay $0x8  }
0x1d7: {  	v9 =	vpop (erf)  }
0x1d8: {  	v9 =	vadd.f32 $1.000000000e+00, v9;
	_ =	sdelay $0x1  }
0x1d9: {  	(erf) = vrcp.f32 v9  }
0x1da: {  	v43 =	vld [tilespmem:$0x590]  }
0x1db: {  	v44 =	vld [tilespmem:$0x790];
	_ =	sdelay $0x3  }
0x1dc: {  	v9 =	vadd.s32 v1, v43  }
0x1dd: {  	v10 =	vadd.s32 v1, v44;
	_ =	sdelay $0x1  }
0x1de: {  	v45 =	vpop (erf)  }
0x1df: {  	[tilespmem:$0x18A00] =	vst v45  }
0x1e0: {  	v9 =	vld.idx.msk [tilespmem:v9+s17+$0x0], $0xffff  }
0x1e1: {  	v10 =	vld.idx.msk [tilespmem:v10+s18+$0x0], $0xffff;
	_ =	sdelay $0x4  }
0x1e2: {  	v9 =	vadd.f32 v10, v9;
	_ =	sdelay $0x1  }
0x1e3: {  	v9 =	vadd.f32 v9, v8;
	_ =	sdelay $0x1  }
0x1e4: {  	v9 =	vsub.f32 $0.0e+00, v9;
	_ =	sdelay $0x1  }
0x1e5: {  	v9 =	vmul.f32 $1.442695020e+00, v9;
	_ =	sdelay $0x1  }
0x1e6: {  	(erf) = vpow2.f32 v9;
	_ =	sdelay $0x8  }
0x1e7: {  	v9 =	vpop (erf)  }
0x1e8: {  	v9 =	vadd.f32 $1.000000000e+00, v9;
	_ =	sdelay $0x1  }
0x1e9: {  	(erf) = vrcp.f32 v9  }
0x1ea: {  	v46 =	vld [tilespmem:$0x5A0]  }
0x1eb: {  	v47 =	vld [tilespmem:$0x7A0];
	_ =	sdelay $0x3  }
0x1ec: {  	v9 =	vadd.s32 v2, v46  }
0x1ed: {  	v10 =	vadd.s32 v2, v47;
	_ =	sdelay $0x1  }
0x1ee: {  	v48 =	vpop (erf)  }
0x1ef: {  	[tilespmem:$0x18A10] =	vst v48  }
0x1f0: {  	v9 =	vld.idx.msk [tilespmem:v9+s17+$0x0], $0xffff  }
0x1f1: {  	v10 =	vld.idx.msk [tilespmem:v10+s18+$0x0], $0xffff;
	_ =	sdelay $0x4  }
0x1f2: {  	v9 =	vadd.f32 v10, v9;
	_ =	sdelay $0x1  }
0x1f3: {  	v9 =	vadd.f32 v9, v8;
	_ =	sdelay $0x1  }
0x1f4: {  	v9 =	vsub.f32 $0.0e+00, v9;
	_ =	sdelay $0x1  }
0x1f5: {  	v9 =	vmul.f32 $1.442695020e+00, v9;
	_ =	sdelay $0x1  }
0x1f6: {  	(erf) = vpow2.f32 v9;
	_ =	sdelay $0x8  }
0x1f7: {  	v9 =	vpop (erf)  }
0x1f8: {  	v9 =	vadd.f32 $1.000000000e+00, v9;
	_ =	sdelay $0x1  }
0x1f9: {  	(erf) = vrcp.f32 v9  }
0x1fa: {  	v49 =	vld [tilespmem:$0x5B0]  }
0x1fb: {  	v50 =	vld [tilespmem:$0x7B0];
	_ =	sdelay $0x3  }
0x1fc: {  	v9 =	vadd.s32 v3, v49  }
0x1fd: {  	v10 =	vadd.s32 v3, v50;
	_ =	sdelay $0x1  }
0x1fe: {  	v51 =	vpop (erf)  }
0x1ff: {  	[tilespmem:$0x18A20] =	vst v51  }
0x200: {  	v9 =	vld.idx.msk [tilespmem:v9+s17+$0x0], $0xffff  }
0x201: {  	v10 =	vld.idx.msk [tilespmem:v10+s18+$0x0], $0xffff;
	_ =	sdelay $0x4  }
0x202: {  	v9 =	vadd.f32 v10, v9;
	_ =	sdelay $0x1  }
0x203: {  	v9 =	vadd.f32 v9, v8;
	_ =	sdelay $0x1  }
0x204: {  	v9 =	vsub.f32 $0.0e+00, v9;
	_ =	sdelay $0x1  }
0x205: {  	v9 =	vmul.f32 $1.442695020e+00, v9;
	_ =	sdelay $0x1  }
0x206: {  	(erf) = vpow2.f32 v9;
	_ =	sdelay $0x8  }
0x207: {  	v9 =	vpop (erf)  }
0x208: {  	v9 =	vadd.f32 $1.000000000e+00, v9;
	_ =	sdelay $0x1  }
0x209: {  	(erf) = vrcp.f32 v9  }
0x20a: {  	v52 =	vld [tilespmem:$0x5C0]  }
0x20b: {  	v53 =	vld [tilespmem:$0x7C0];
	_ =	sdelay $0x3  }
0x20c: {  	v9 =	vadd.s32 v4, v52  }
0x20d: {  	v10 =	vadd.s32 v4, v53;
	_ =	sdelay $0x1  }
0x20e: {  	v54 =	vpop (erf)  }
0x20f: {  	[tilespmem:$0x18A30] =	vst v54  }
0x210: {  	v9 =	vld.idx.msk [tilespmem:v9+s17+$0x0], $0xffff  }
0x211: {  	v10 =	vld.idx.msk [tilespmem:v10+s18+$0x0], $0xffff;
	_ =	sdelay $0x4  }
0x212: {  	v9 =	vadd.f32 v10, v9;
	_ =	sdelay $0x1  }
0x213: {  	v9 =	vadd.f32 v9, v8;
	_ =	sdelay $0x1  }
0x214: {  	v9 =	vsub.f32 $0.0e+00, v9;
	_ =	sdelay $0x1  }
0x215: {  	v9 =	vmul.f32 $1.442695020e+00, v9;
	_ =	sdelay $0x1  }
0x216: {  	(erf) = vpow2.f32 v9;
	_ =	sdelay $0x8  }
0x217: {  	v9 =	vpop (erf)  }
0x218: {  	v9 =	vadd.f32 $1.000000000e+00, v9;
	_ =	sdelay $0x1  }
0x219: {  	(erf) = vrcp.f32 v9  }
0x21a: {  	v55 =	vld [tilespmem:$0x5D0]  }
0x21b: {  	v56 =	vld [tilespmem:$0x7D0];
	_ =	sdelay $0x3  }
0x21c: {  	v9 =	vadd.s32 v5, v55  }
0x21d: {  	v10 =	vadd.s32 v5, v56;
	_ =	sdelay $0x1  }
0x21e: {  	v57 =	vpop (erf)  }
0x21f: {  	[tilespmem:$0x18A40] =	vst v57  }
0x220: {  	v9 =	vld.idx.msk [tilespmem:v9+s17+$0x0], $0xffff  }
0x221: {  	v10 =	vld.idx.msk [tilespmem:v10+s18+$0x0], $0xffff;
	_ =	sdelay $0x4  }
0x222: {  	v9 =	vadd.f32 v10, v9;
	_ =	sdelay $0x1  }
0x223: {  	v9 =	vadd.f32 v9, v8;
	_ =	sdelay $0x1  }
0x224: {  	v9 =	vsub.f32 $0.0e+00, v9;
	_ =	sdelay $0x1  }
0x225: {  	v9 =	vmul.f32 $1.442695020e+00, v9;
	_ =	sdelay $0x1  }
0x226: {  	(erf) = vpow2.f32 v9;
	_ =	sdelay $0x8  }
0x227: {  	v9 =	vpop (erf)  }
0x228: {  	v9 =	vadd.f32 $1.000000000e+00, v9;
	_ =	sdelay $0x1  }
0x229: {  	(erf) = vrcp.f32 v9  }
0x22a: {  	v58 =	vld [tilespmem:$0x5E0]  }
0x22b: {  	v59 =	vld [tilespmem:$0x7E0];
	_ =	sdelay $0x3  }
0x22c: {  	v9 =	vadd.s32 v6, v58  }
0x22d: {  	v10 =	vadd.s32 v6, v59;
	_ =	sdelay $0x1  }
0x22e: {  	v60 =	vpop (erf)  }
0x22f: {  	[tilespmem:$0x18A50] =	vst v60  }
0x230: {  	v9 =	vld.idx.msk [tilespmem:v9+s17+$0x0], $0xffff  }
0x231: {  	v10 =	vld.idx.msk [tilespmem:v10+s18+$0x0], $0xffff;
	_ =	sdelay $0x4  }
0x232: {  	v9 =	vadd.f32 v10, v9;
	_ =	sdelay $0x1  }
0x233: {  	v9 =	vadd.f32 v9, v8;
	_ =	sdelay $0x1  }
0x234: {  	v9 =	vsub.f32 $0.0e+00, v9;
	_ =	sdelay $0x1  }
0x235: {  	v9 =	vmul.f32 $1.442695020e+00, v9;
	_ =	sdelay $0x1  }
0x236: {  	(erf) = vpow2.f32 v9;
	_ =	sdelay $0x8  }
0x237: {  	v9 =	vpop (erf)  }
0x238: {  	v9 =	vadd.f32 $1.000000000e+00, v9;
	_ =	sdelay $0x1  }
0x239: {  	(erf) = vrcp.f32 v9  }
0x23a: {  	v61 =	vld [tilespmem:$0x5F0]  }
0x23b: {  	v62 =	vld [tilespmem:$0x7F0];
	_ =	sdelay $0x3  }
0x23c: {  	v9 =	vadd.s32 v7, v61  }
0x23d: {  	v10 =	vadd.s32 v7, v62;
	_ =	sdelay $0x1  }
0x23e: {  	v63 =	vpop (erf)  }
0x23f: {  	[tilespmem:$0x18A60] =	vst v63  }
0x240: {  	v9 =	vld.idx.msk [tilespmem:v9+s17+$0x0], $0xffff  }
0x241: {  	v10 =	vld.idx.msk [tilespmem:v10+s18+$0x0], $0xffff;
	_ =	sdelay $0x4  }
0x242: {  	v9 =	vadd.f32 v10, v9;
	_ =	sdelay $0x1  }
0x243: {  	v8 =	vadd.f32 v9, v8;
	_ =	sdelay $0x1  }
0x244: {  	v8 =	vsub.f32 $0.0e+00, v8;
	_ =	sdelay $0x1  }
0x245: {  	v8 =	vmul.f32 $1.442695020e+00, v8;
	_ =	sdelay $0x1  }
0x246: {  	(erf) = vpow2.f32 v8;
	_ =	sdelay $0x8  }
0x247: {  	v8 =	vpop (erf)  }
0x248: {  	v8 =	vadd.f32 $1.000000000e+00, v8;
	_ =	sdelay $0x1  }
0x249: {  	(erf) = vrcp.f32 v8;
	_ =	sdelay $0x8  }
0x24a: {  	p0 =	sne.s32 s10, $0x1;
	v8 =	vpop (erf)  }
.Ltmp0:
0x24b: {  	[tilespmem:$0x18A70] =	vst v8;
	(pc) =	sbr.rel @p0 .LBB2_1-.Ltmp0, $4  }
0x24c: {  	[hbm4b:s9+s2] =	stream.linear.scatter [tilespmem:s0], [sflag:$0x4], $0x200, $0x38;
	[tilespmem:$0x18A80] =	vst v63  }
0x24d: {  	_ =	swait.ge [sflag:s11], $0x200  }
0x24e: {  	[sflag:s11] =	ssyncset.done $0x0  }
0x24f: {  	s10 =	sadd.s32 $0xFFFFFFFF, s10;
	[sflag:s11] =	ssyncadd.s32 $0xFFFFFE00  }
0x250: {  	_ =	sfence.sel $0x180000  }
0x251: {  	[bflag:$0x0] =	sbarrier.arrive $0xFFFF  }
0x252: {  	_ =	strace $0x90000047  }
0x253: {  	s0 =	stileid.u32;
	[bflag:$0x2] =	sbarrier.arrive $0xFFFF  }
0x254: {  	p0 =	sne.s32 s0, $0x0;
	s0 =	rddreg [dreg:$0x2]  }
0x255: {  	s0 =	sadd.s32 @!p0 $0x100000, s0  }
0x256: {  	[sflag:s0] =	ssyncadd.tile.s32 @!p0 $0x1;
	_ =	shalt  }
.Lfunc_end2:
_tile_overlayer_lowered:
.L_overlay_start_2:
0x257: {  	(tag) =	ssettag $0x2  }
0x258: {  	s0 =	rddreg [dreg:$0x0];
	s2 =	stileid.u32  }
0x259: {  	s1 =	rddreg [dreg:$0x1];
	p0 =	sne.s32 s2, $0x0  }
0x25a: {  	s3 =	rddreg [dreg:$0x2];
	[bflag:$0x3] =	sbarrier.arrive $0xFFFF;
	s2 =	simm.s32 @!p0 $0x1C04  }
0x25b: {  	[timem:s3], [sflag:s2] =	dma.local @!p0 [hbm:s0], s1  }
0x25c: {  	s0 =	simm.s32 @!p0 $0x4  }
0x25d: {  	_ =	swait.ge @!p0 [sflag:s0], s1  }
0x25e: {  	s1 =	ssub.s32 @!p0 $0x0, s1;
	[sflag:s0] =	ssyncset.done @!p0 $0x0  }
0x25f: {  	[sflag:s0] =	ssyncadd.s32 @!p0 s1  }
0x260: {  	[bflag:$0x3] =	sbarrier.arrive $0xFFFF  }
0x261: {  	_ =	shalt  }

</sc_bundles>
